<compile_context>
chip_gen: v7x
topology: tpu7x:2x2x1
jax: 0.10.2.dev20260603
libtpu: 0.0.44.dev20260713+nightly
codegen_flags: <defaults>
</compile_context>

<pallas_src>
import functools

import jax
import jax.numpy as jnp
from jax import lax
from jax.experimental import pallas as pl
from jax.experimental.pallas import tpu as pltpu, tpu_sc as plsc

HIDDEN = 2048
NUM_EXPERTS = 16
TOP_K = 2
N_TOKENS = 4 * 4096

CHUNK = 256
NBUF = 8
NSPLIT = 2
NOUT = 4

_NC, _NS = 2, 16
_NW = _NC * _NS
_ROWS_PER_W = N_TOKENS // _NW
_TILES = _ROWS_PER_W // 16


def _matmul_body(x_hbm, wt_ref, logits_hbm, buf, sem, st_l, osem):
    n_chunks = x_hbm.shape[0] // CHUNK
    csz = HIDDEN // NSPLIT

    def start_copy(i, slot):
        for j in range(NSPLIT):
            pltpu.make_async_copy(
                x_hbm.at[pl.ds(i * CHUNK, CHUNK), pl.ds(j * csz, csz)],
                buf.at[slot, slice(None), pl.ds(j * csz, csz)],
                sem.at[slot, j],
            ).start()

    def wait_copy(slot):
        for j in range(NSPLIT):
            pltpu.make_async_copy(
                x_hbm.at[pl.ds(0, CHUNK), pl.ds(0, csz)],
                buf.at[slot, slice(None), pl.ds(j * csz, csz)],
                sem.at[slot, j],
            ).wait()

    def out_copy(i, oslot):
        return pltpu.make_async_copy(
            st_l.at[oslot], logits_hbm.at[pl.ds(i * CHUNK, CHUNK), :],
            osem.at[oslot])

    for s in range(NBUF):
        start_copy(s, s)

    wt = wt_ref[...]

    def chunk_body(i, _):
        slot = lax.rem(i, NBUF)
        oslot = lax.rem(i, NOUT)
        wait_copy(slot)
        logits = jax.lax.dot_general(
            buf[slot], wt, (((1,), (0,)), ((), ())),
            preferred_element_type=jnp.float32)

        @pl.when(i + NBUF < n_chunks)
        def _():
            start_copy(i + NBUF, slot)

        @pl.when(i >= NOUT)
        def _():
            out_copy(i - NOUT, oslot).wait()

        st_l[oslot] = logits
        out_copy(i, oslot).start()
        return 0

    lax.fori_loop(0, n_chunks, chunk_body, 0)
    for k in range(NOUT):
        i = n_chunks - NOUT + k
        out_copy(i, lax.rem(jnp.int32(i), NOUT)).wait()


def _routing_body(logits_hbm, probs_hbm, w_hbm, i_hbm, lv, pv, wv, iv):
    wid = lax.axis_index("c") * _NS + lax.axis_index("s")
    base = wid * _ROWS_PER_W
    nwords = _ROWS_PER_W * NUM_EXPERTS
    pltpu.sync_copy(logits_hbm.at[pl.ds(base * NUM_EXPERTS, nwords)], lv)

    def tile_body(t, _):
        iota = lax.iota(jnp.int32, 16)
        fidx0 = t * (16 * NUM_EXPERTS) + iota * NUM_EXPERTS
        regs = [plsc.load_gather(lv, [fidx0 + e]) for e in range(NUM_EXPERTS)]
        m = regs[0]
        for e in range(1, NUM_EXPERTS):
            m = jnp.maximum(m, regs[e])
        es = [jnp.exp(r - m) for r in regs]
        s = es[0]
        for e in range(1, NUM_EXPERTS):
            s = s + es[e]
        inv = 1.0 / s
        ps = [ee * inv for ee in es]
        for e in range(NUM_EXPERTS):
            plsc.store_scatter(pv, [fidx0 + e], ps[e])
        m1 = ps[0]
        i1 = jnp.zeros((16,), jnp.int32)
        m2 = jnp.full((16,), -1.0, jnp.float32)
        i2 = jnp.zeros((16,), jnp.int32)
        for e in range(1, NUM_EXPERTS):
            ev = jnp.full((16,), e, jnp.int32)
            gt1 = ps[e] > m1
            gt2 = ps[e] > m2
            m2 = jnp.where(gt1, m1, jnp.where(gt2, ps[e], m2))
            i2 = jnp.where(gt1, i1, jnp.where(gt2, ev, i2))
            m1 = jnp.where(gt1, ps[e], m1)
            i1 = jnp.where(gt1, ev, i1)
        denom = m1 + m2
        li2 = t * (16 * TOP_K) + iota * TOP_K
        li2p = li2 + 1
        plsc.store_scatter(wv, [li2], m1 / denom)
        plsc.store_scatter(wv, [li2p], m2 / denom)
        plsc.store_scatter(iv, [li2], i1)
        plsc.store_scatter(iv, [li2p], i2)
        return 0

    lax.fori_loop(0, _TILES, tile_body, 0)
    pltpu.sync_copy(pv, probs_hbm.at[pl.ds(base * NUM_EXPERTS, nwords)])
    pltpu.sync_copy(wv, w_hbm.at[pl.ds(TOP_K * base, TOP_K * _ROWS_PER_W)])
    pltpu.sync_copy(iv, i_hbm.at[pl.ds(TOP_K * base, TOP_K * _ROWS_PER_W)])


_routing = pl.kernel(
    _routing_body,
    out_type=[
        jax.ShapeDtypeStruct((N_TOKENS * NUM_EXPERTS,), jnp.float32),
        jax.ShapeDtypeStruct((TOP_K * N_TOKENS,), jnp.float32),
        jax.ShapeDtypeStruct((TOP_K * N_TOKENS,), jnp.int32),
    ],
    mesh=plsc.VectorSubcoreMesh(core_axis_name="c", subcore_axis_name="s",
                                num_cores=_NC, num_subcores=_NS),
    scratch_types=[
        pltpu.VMEM((_ROWS_PER_W * NUM_EXPERTS,), jnp.float32),
        pltpu.VMEM((_ROWS_PER_W * NUM_EXPERTS,), jnp.float32),
        pltpu.VMEM((TOP_K * _ROWS_PER_W,), jnp.float32),
        pltpu.VMEM((TOP_K * _ROWS_PER_W,), jnp.int32),
    ],
    compiler_params=pltpu.CompilerParams(needs_layout_passes=False),
)


@jax.jit
def kernel(x, W):
    B, S, H = x.shape
    N = B * S
    x2 = x.reshape(N, H)
    wt = W.T

    logits = pl.pallas_call(
        _matmul_body,
        in_specs=[
            pl.BlockSpec(memory_space=pl.ANY),
            pl.BlockSpec((H, NUM_EXPERTS), lambda: (0, 0)),
        ],
        out_specs=pl.BlockSpec(memory_space=pl.ANY),
        out_shape=jax.ShapeDtypeStruct((N, NUM_EXPERTS), jnp.float32),
        scratch_shapes=[
            pltpu.VMEM((NBUF, CHUNK, HIDDEN), jnp.float32),
            pltpu.SemaphoreType.DMA((NBUF, NSPLIT)),
            pltpu.VMEM((NOUT, CHUNK, NUM_EXPERTS), jnp.float32),
            pltpu.SemaphoreType.DMA((NOUT,)),
        ],
    )(x2, wt)

    probs_flat, w_flat, i_flat = _routing(logits.reshape(-1))
    probs = probs_flat.reshape(N, NUM_EXPERTS)
    routing_weights = w_flat.reshape(B, S, TOP_K)
    expert_indices = i_flat.reshape(B, S, TOP_K)
    return (routing_weights, expert_indices, logits, probs)

# --- scband reference (transcript-rebuilt; emitter-appended) ---
"""Pipeline reference for scband-top-kgating-router-68899865362460 (READ-ONLY COPY).

The authoritative reference and input builder live on the scoring server;
editing this copy changes nothing except your own understanding.
"""

import jax, jax.numpy as jnp
import numpy as np

HIDDEN = 2048
NUM_EXPERTS = 16
TOP_K = 2

def setup_inputs(seed: int = 0) -> dict:
    key = jax.random.key(seed)
    k1, k2 = jax.random.split(key)
    x = jax.random.normal(k1, (4, 4096, HIDDEN), dtype=jnp.float32)
    # gate_projector: nn.Linear(hidden_size, num_experts, bias=False) -> weight [E, H]
    W = jax.random.normal(k2, (NUM_EXPERTS, HIDDEN), dtype=jnp.float32) * (1.0 / np.sqrt(HIDDEN))
    return {"x": x, "W": W}

def reference(x, W):
    B, S, H = x.shape
    x_reshaped = x.reshape(-1, H)
    gate_logits = x_reshaped @ W.T
    routing_probs = jax.nn.softmax(gate_logits, axis=-1)
    top_k_probs, top_k_indices = jax.lax.top_k(routing_probs, TOP_K)
    top_k_probs_sum = jnp.sum(top_k_probs, axis=-1, keepdims=True)
    top_k_probs_normalized = top_k_probs / top_k_probs_sum
    routing_weights = top_k_probs_normalized.reshape(B, S, TOP_K)
    expert_indices = top_k_indices.reshape(B, S, TOP_K)
    # eval mode: aux_loss = 0.0, no expert_counts update
    return (routing_weights, expert_indices, gate_logits, routing_probs)

if __name__ == "__main__":
    import jax
    _d = setup_inputs()
    print(jax.jit(kernel)(*tuple(_d.values())))

</pallas_src>

<mosaic_0001>
#map = affine_map<(d0, d1) -> (0)>
module attributes {stable_mosaic.version = 14 : i64} {
  func.func @_routing_body(%arg0: i32, %arg1: i32, %arg2: memref<262144xf32, #tpu.memory_space<hbm>>, %arg3: memref<262144xf32, #tpu.memory_space<hbm>>, %arg4: memref<32768xf32, #tpu.memory_space<hbm>>, %arg5: memref<32768xi32, #tpu.memory_space<hbm>>, %arg6: memref<8192xf32, #tpu.memory_space<vmem>>, %arg7: memref<8192xf32, #tpu.memory_space<vmem>>, %arg8: memref<1024xf32, #tpu.memory_space<vmem>>, %arg9: memref<1024xi32, #tpu.memory_space<vmem>>) attributes {dimension_semantics = [#tpu.dimension_semantics<core_parallel>, #tpu.dimension_semantics<subcore_parallel>], iteration_bounds = array<i64: 2, 16>, scalar_prefetch = 0 : i64, scratch_operands = 4 : i64, tpu.core_type = #tpu.core_type<sc_vector_subcore>, window_params = [{transform_indices = #map}, {transform_indices = #map}, {transform_indices = #map}, {transform_indices = #map}]} {
    %mul3A = arith.constant 16 : i32
    %mul3A_0 = arith.muli %arg0, %mul3A : i32
    %add3A = arith.addi %mul3A_0, %arg1 : i32
    %mul3A_1 = arith.constant 512 : i32
    %mul3A_2 = arith.muli %add3A, %mul3A_1 : i32
    %mul3A_3 = arith.constant 16 : i32
    %mul3A_4 = arith.muli %mul3A_2, %mul3A_3 : i32
    "tpu.region"() ({
      %run_scoped3A = tpu.sem_alloc : memref<!tpu.dma_semaphore, #tpu.memory_space<semaphore_mem>>
      %dma_start3A = tpu.memref_slice %arg2[%mul3A_4] : memref<262144xf32, #tpu.memory_space<hbm>> -> memref<8192xf32, #tpu.memory_space<hbm>>
      %dma_start3A_17 = tpu.memref_slice %arg2[%mul3A_4] : memref<262144xf32, #tpu.memory_space<hbm>> -> memref<8192xf32, #tpu.memory_space<hbm>>
      tpu.enqueue_dma source(%dma_start3A_17 : memref<8192xf32, #tpu.memory_space<hbm>>) target(%arg6 : memref<8192xf32, #tpu.memory_space<vmem>>) target_semaphore(%run_scoped3A : memref<!tpu.dma_semaphore, #tpu.memory_space<semaphore_mem>>)
      %dma_wait3A = tpu.memref_slice %arg2[%mul3A_4] : memref<262144xf32, #tpu.memory_space<hbm>> -> memref<8192xf32, #tpu.memory_space<hbm>>
      %dma_wait3A_18 = tpu.memref_slice %arg2[%mul3A_4] : memref<262144xf32, #tpu.memory_space<hbm>> -> memref<8192xf32, #tpu.memory_space<hbm>>
      tpu.wait_dma2 semaphore(%run_scoped3A : memref<!tpu.dma_semaphore, #tpu.memory_space<semaphore_mem>>) src(%dma_wait3A_18 : memref<8192xf32, #tpu.memory_space<hbm>>) dst(%arg6 : memref<8192xf32, #tpu.memory_space<vmem>>)
      tpu.yield
    }) : () -> ()
    %scan3A = arith.constant 0 : i32
    %scan3A_5 = arith.constant 0 : i32
    %scan3A_6 = arith.constant 32 : i32
    %scan3A_7 = arith.addi %scan3A_5, %scan3A_6 : i32
    %scan3A_8 = arith.constant 1 : i32
    %scan3A_9 = scf.for %scan3A_17 = %scan3A_5 to %scan3A_7 step %scan3A_8 iter_args(%scan3A_18 = %scan3A) -> (i32)  : i32 {
      %iota3A = tpu.iota {dimensions = array<i32: 0>} : vector<16xi32>
      %mul3A_19 = arith.constant 256 : i32
      %mul3A_20 = arith.muli %scan3A_17, %mul3A_19 : i32
      %mul3A_21 = arith.constant 16 : i32
      %mul3A_22 = vector.broadcast %mul3A_21 : i32 to vector<16xi32>
      %mul3A_23 = arith.muli %iota3A, %mul3A_22 : vector<16xi32>
      %add3A_24 = vector.broadcast %mul3A_20 : i32 to vector<16xi32>
      %add3A_25 = arith.addi %add3A_24, %mul3A_23 : vector<16xi32>
      %add3A_26 = arith.constant 0 : i32
      %add3A_27 = vector.broadcast %add3A_26 : i32 to vector<16xi32>
      %add3A_28 = arith.addi %add3A_25, %add3A_27 : vector<16xi32>
      %gather3A = tpu.vector_load_idx %arg6[%add3A_28] : memref<8192xf32, #tpu.memory_space<vmem>>[vector<16xi32>], vector<16xf32>,
      %add3A_29 = arith.constant 1 : i32
      %add3A_30 = vector.broadcast %add3A_29 : i32 to vector<16xi32>
      %add3A_31 = arith.addi %add3A_25, %add3A_30 : vector<16xi32>
      %gather3A_32 = tpu.vector_load_idx %arg6[%add3A_31] : memref<8192xf32, #tpu.memory_space<vmem>>[vector<16xi32>], vector<16xf32>,
      %add3A_33 = arith.constant 2 : i32
      %add3A_34 = vector.broadcast %add3A_33 : i32 to vector<16xi32>
      %add3A_35 = arith.addi %add3A_25, %add3A_34 : vector<16xi32>
      %gather3A_36 = tpu.vector_load_idx %arg6[%add3A_35] : memref<8192xf32, #tpu.memory_space<vmem>>[vector<16xi32>], vector<16xf32>,
      %add3A_37 = arith.constant 3 : i32
      %add3A_38 = vector.broadcast %add3A_37 : i32 to vector<16xi32>
      %add3A_39 = arith.addi %add3A_25, %add3A_38 : vector<16xi32>
      %gather3A_40 = tpu.vector_load_idx %arg6[%add3A_39] : memref<8192xf32, #tpu.memory_space<vmem>>[vector<16xi32>], vector<16xf32>,
      %add3A_41 = arith.constant 4 : i32
      %add3A_42 = vector.broadcast %add3A_41 : i32 to vector<16xi32>
      %add3A_43 = arith.addi %add3A_25, %add3A_42 : vector<16xi32>
      %gather3A_44 = tpu.vector_load_idx %arg6[%add3A_43] : memref<8192xf32, #tpu.memory_space<vmem>>[vector<16xi32>], vector<16xf32>,
      %add3A_45 = arith.constant 5 : i32
      %add3A_46 = vector.broadcast %add3A_45 : i32 to vector<16xi32>
      %add3A_47 = arith.addi %add3A_25, %add3A_46 : vector<16xi32>
      %gather3A_48 = tpu.vector_load_idx %arg6[%add3A_47] : memref<8192xf32, #tpu.memory_space<vmem>>[vector<16xi32>], vector<16xf32>,
      %add3A_49 = arith.constant 6 : i32
      %add3A_50 = vector.broadcast %add3A_49 : i32 to vector<16xi32>
      %add3A_51 = arith.addi %add3A_25, %add3A_50 : vector<16xi32>
      %gather3A_52 = tpu.vector_load_idx %arg6[%add3A_51] : memref<8192xf32, #tpu.memory_space<vmem>>[vector<16xi32>], vector<16xf32>,
      %add3A_53 = arith.constant 7 : i32
      %add3A_54 = vector.broadcast %add3A_53 : i32 to vector<16xi32>
      %add3A_55 = arith.addi %add3A_25, %add3A_54 : vector<16xi32>
      %gather3A_56 = tpu.vector_load_idx %arg6[%add3A_55] : memref<8192xf32, #tpu.memory_space<vmem>>[vector<16xi32>], vector<16xf32>,
      %add3A_57 = arith.constant 8 : i32
      %add3A_58 = vector.broadcast %add3A_57 : i32 to vector<16xi32>
      %add3A_59 = arith.addi %add3A_25, %add3A_58 : vector<16xi32>
      %gather3A_60 = tpu.vector_load_idx %arg6[%add3A_59] : memref<8192xf32, #tpu.memory_space<vmem>>[vector<16xi32>], vector<16xf32>,
      %add3A_61 = arith.constant 9 : i32
      %add3A_62 = vector.broadcast %add3A_61 : i32 to vector<16xi32>
      %add3A_63 = arith.addi %add3A_25, %add3A_62 : vector<16xi32>
      %gather3A_64 = tpu.vector_load_idx %arg6[%add3A_63] : memref<8192xf32, #tpu.memory_space<vmem>>[vector<16xi32>], vector<16xf32>,
      %add3A_65 = arith.constant 10 : i32
      %add3A_66 = vector.broadcast %add3A_65 : i32 to vector<16xi32>
      %add3A_67 = arith.addi %add3A_25, %add3A_66 : vector<16xi32>
      %gather3A_68 = tpu.vector_load_idx %arg6[%add3A_67] : memref<8192xf32, #tpu.memory_space<vmem>>[vector<16xi32>], vector<16xf32>,
      %add3A_69 = arith.constant 11 : i32
      %add3A_70 = vector.broadcast %add3A_69 : i32 to vector<16xi32>
      %add3A_71 = arith.addi %add3A_25, %add3A_70 : vector<16xi32>
      %gather3A_72 = tpu.vector_load_idx %arg6[%add3A_71] : memref<8192xf32, #tpu.memory_space<vmem>>[vector<16xi32>], vector<16xf32>,
      %add3A_73 = arith.constant 12 : i32
      %add3A_74 = vector.broadcast %add3A_73 : i32 to vector<16xi32>
      %add3A_75 = arith.addi %add3A_25, %add3A_74 : vector<16xi32>
      %gather3A_76 = tpu.vector_load_idx %arg6[%add3A_75] : memref<8192xf32, #tpu.memory_space<vmem>>[vector<16xi32>], vector<16xf32>,
      %add3A_77 = arith.constant 13 : i32
      %add3A_78 = vector.broadcast %add3A_77 : i32 to vector<16xi32>
      %add3A_79 = arith.addi %add3A_25, %add3A_78 : vector<16xi32>
      %gather3A_80 = tpu.vector_load_idx %arg6[%add3A_79] : memref<8192xf32, #tpu.memory_space<vmem>>[vector<16xi32>], vector<16xf32>,
      %add3A_81 = arith.constant 14 : i32
      %add3A_82 = vector.broadcast %add3A_81 : i32 to vector<16xi32>
      %add3A_83 = arith.addi %add3A_25, %add3A_82 : vector<16xi32>
      %gather3A_84 = tpu.vector_load_idx %arg6[%add3A_83] : memref<8192xf32, #tpu.memory_space<vmem>>[vector<16xi32>], vector<16xf32>,
      %add3A_85 = arith.constant 15 : i32
      %add3A_86 = vector.broadcast %add3A_85 : i32 to vector<16xi32>
      %add3A_87 = arith.addi %add3A_25, %add3A_86 : vector<16xi32>
      %gather3A_88 = tpu.vector_load_idx %arg6[%add3A_87] : memref<8192xf32, #tpu.memory_space<vmem>>[vector<16xi32>], vector<16xf32>,
      %max3A = arith.maximumf %gather3A, %gather3A_32 : vector<16xf32>
      %max3A_89 = arith.maximumf %max3A, %gather3A_36 : vector<16xf32>
      %max3A_90 = arith.maximumf %max3A_89, %gather3A_40 : vector<16xf32>
      %max3A_91 = arith.maximumf %max3A_90, %gather3A_44 : vector<16xf32>
      %max3A_92 = arith.maximumf %max3A_91, %gather3A_48 : vector<16xf32>
      %max3A_93 = arith.maximumf %max3A_92, %gather3A_52 : vector<16xf32>
      %max3A_94 = arith.maximumf %max3A_93, %gather3A_56 : vector<16xf32>
      %max3A_95 = arith.maximumf %max3A_94, %gather3A_60 : vector<16xf32>
      %max3A_96 = arith.maximumf %max3A_95, %gather3A_64 : vector<16xf32>
      %max3A_97 = arith.maximumf %max3A_96, %gather3A_68 : vector<16xf32>
      %max3A_98 = arith.maximumf %max3A_97, %gather3A_72 : vector<16xf32>
      %max3A_99 = arith.maximumf %max3A_98, %gather3A_76 : vector<16xf32>
      %max3A_100 = arith.maximumf %max3A_99, %gather3A_80 : vector<16xf32>
      %max3A_101 = arith.maximumf %max3A_100, %gather3A_84 : vector<16xf32>
      %max3A_102 = arith.maximumf %max3A_101, %gather3A_88 : vector<16xf32>
      %sub3A = arith.subf %gather3A, %max3A_102 : vector<16xf32>
      %exp3A = math.exp %sub3A : vector<16xf32>
      %sub3A_103 = arith.subf %gather3A_32, %max3A_102 : vector<16xf32>
      %exp3A_104 = math.exp %sub3A_103 : vector<16xf32>
      %sub3A_105 = arith.subf %gather3A_36, %max3A_102 : vector<16xf32>
      %exp3A_106 = math.exp %sub3A_105 : vector<16xf32>
      %sub3A_107 = arith.subf %gather3A_40, %max3A_102 : vector<16xf32>
      %exp3A_108 = math.exp %sub3A_107 : vector<16xf32>
      %sub3A_109 = arith.subf %gather3A_44, %max3A_102 : vector<16xf32>
      %exp3A_110 = math.exp %sub3A_109 : vector<16xf32>
      %sub3A_111 = arith.subf %gather3A_48, %max3A_102 : vector<16xf32>
      %exp3A_112 = math.exp %sub3A_111 : vector<16xf32>
      %sub3A_113 = arith.subf %gather3A_52, %max3A_102 : vector<16xf32>
      %exp3A_114 = math.exp %sub3A_113 : vector<16xf32>
      %sub3A_115 = arith.subf %gather3A_56, %max3A_102 : vector<16xf32>
      %exp3A_116 = math.exp %sub3A_115 : vector<16xf32>
      %sub3A_117 = arith.subf %gather3A_60, %max3A_102 : vector<16xf32>
      %exp3A_118 = math.exp %sub3A_117 : vector<16xf32>
      %sub3A_119 = arith.subf %gather3A_64, %max3A_102 : vector<16xf32>
      %exp3A_120 = math.exp %sub3A_119 : vector<16xf32>
      %sub3A_121 = arith.subf %gather3A_68, %max3A_102 : vector<16xf32>
      %exp3A_122 = math.exp %sub3A_121 : vector<16xf32>
      %sub3A_123 = arith.subf %gather3A_72, %max3A_102 : vector<16xf32>
      %exp3A_124 = math.exp %sub3A_123 : vector<16xf32>
      %sub3A_125 = arith.subf %gather3A_76, %max3A_102 : vector<16xf32>
      %exp3A_126 = math.exp %sub3A_125 : vector<16xf32>
      %sub3A_127 = arith.subf %gather3A_80, %max3A_102 : vector<16xf32>
      %exp3A_128 = math.exp %sub3A_127 : vector<16xf32>
      %sub3A_129 = arith.subf %gather3A_84, %max3A_102 : vector<16xf32>
      %exp3A_130 = math.exp %sub3A_129 : vector<16xf32>
      %sub3A_131 = arith.subf %gather3A_88, %max3A_102 : vector<16xf32>
      %exp3A_132 = math.exp %sub3A_131 : vector<16xf32>
      %add3A_133 = arith.addf %exp3A, %exp3A_104 : vector<16xf32>
      %add3A_134 = arith.addf %add3A_133, %exp3A_106 : vector<16xf32>
      %add3A_135 = arith.addf %add3A_134, %exp3A_108 : vector<16xf32>
      %add3A_136 = arith.addf %add3A_135, %exp3A_110 : vector<16xf32>
      %add3A_137 = arith.addf %add3A_136, %exp3A_112 : vector<16xf32>
      %add3A_138 = arith.addf %add3A_137, %exp3A_114 : vector<16xf32>
      %add3A_139 = arith.addf %add3A_138, %exp3A_116 : vector<16xf32>
      %add3A_140 = arith.addf %add3A_139, %exp3A_118 : vector<16xf32>
      %add3A_141 = arith.addf %add3A_140, %exp3A_120 : vector<16xf32>
      %add3A_142 = arith.addf %add3A_141, %exp3A_122 : vector<16xf32>
      %add3A_143 = arith.addf %add3A_142, %exp3A_124 : vector<16xf32>
      %add3A_144 = arith.addf %add3A_143, %exp3A_126 : vector<16xf32>
      %add3A_145 = arith.addf %add3A_144, %exp3A_128 : vector<16xf32>
      %add3A_146 = arith.addf %add3A_145, %exp3A_130 : vector<16xf32>
      %add3A_147 = arith.addf %add3A_146, %exp3A_132 : vector<16xf32>
      %div3A = arith.constant 1.000000e+00 : f32
      %div3A_148 = vector.broadcast %div3A : f32 to vector<16xf32>
      %div3A_149 = arith.divf %div3A_148, %add3A_147 : vector<16xf32>
      %mul3A_150 = arith.mulf %exp3A, %div3A_149 : vector<16xf32>
      %mul3A_151 = arith.mulf %exp3A_104, %div3A_149 : vector<16xf32>
      %mul3A_152 = arith.mulf %exp3A_106, %div3A_149 : vector<16xf32>
      %mul3A_153 = arith.mulf %exp3A_108, %div3A_149 : vector<16xf32>
      %mul3A_154 = arith.mulf %exp3A_110, %div3A_149 : vector<16xf32>
      %mul3A_155 = arith.mulf %exp3A_112, %div3A_149 : vector<16xf32>
      %mul3A_156 = arith.mulf %exp3A_114, %div3A_149 : vector<16xf32>
      %mul3A_157 = arith.mulf %exp3A_116, %div3A_149 : vector<16xf32>
      %mul3A_158 = arith.mulf %exp3A_118, %div3A_149 : vector<16xf32>
      %mul3A_159 = arith.mulf %exp3A_120, %div3A_149 : vector<16xf32>
      %mul3A_160 = arith.mulf %exp3A_122, %div3A_149 : vector<16xf32>
      %mul3A_161 = arith.mulf %exp3A_124, %div3A_149 : vector<16xf32>
      %mul3A_162 = arith.mulf %exp3A_126, %div3A_149 : vector<16xf32>
      %mul3A_163 = arith.mulf %exp3A_128, %div3A_149 : vector<16xf32>
      %mul3A_164 = arith.mulf %exp3A_130, %div3A_149 : vector<16xf32>
      %mul3A_165 = arith.mulf %exp3A_132, %div3A_149 : vector<16xf32>
      %add3A_166 = arith.constant 0 : i32
      %add3A_167 = vector.broadcast %add3A_166 : i32 to vector<16xi32>
      %add3A_168 = arith.addi %add3A_25, %add3A_167 : vector<16xi32>
      tpu.vector_store_idx %arg7[%add3A_168], %mul3A_150 : memref<8192xf32, #tpu.memory_space<vmem>>[vector<16xi32>], vector<16xf32>,
      %add3A_169 = arith.constant 1 : i32
      %add3A_170 = vector.broadcast %add3A_169 : i32 to vector<16xi32>
      %add3A_171 = arith.addi %add3A_25, %add3A_170 : vector<16xi32>
      tpu.vector_store_idx %arg7[%add3A_171], %mul3A_151 : memref<8192xf32, #tpu.memory_space<vmem>>[vector<16xi32>], vector<16xf32>,
      %add3A_172 = arith.constant 2 : i32
      %add3A_173 = vector.broadcast %add3A_172 : i32 to vector<16xi32>
      %add3A_174 = arith.addi %add3A_25, %add3A_173 : vector<16xi32>
      tpu.vector_store_idx %arg7[%add3A_174], %mul3A_152 : memref<8192xf32, #tpu.memory_space<vmem>>[vector<16xi32>], vector<16xf32>,
      %add3A_175 = arith.constant 3 : i32
      %add3A_176 = vector.broadcast %add3A_175 : i32 to vector<16xi32>
      %add3A_177 = arith.addi %add3A_25, %add3A_176 : vector<16xi32>
      tpu.vector_store_idx %arg7[%add3A_177], %mul3A_153 : memref<8192xf32, #tpu.memory_space<vmem>>[vector<16xi32>], vector<16xf32>,
      %add3A_178 = arith.constant 4 : i32
      %add3A_179 = vector.broadcast %add3A_178 : i32 to vector<16xi32>
      %add3A_180 = arith.addi %add3A_25, %add3A_179 : vector<16xi32>
      tpu.vector_store_idx %arg7[%add3A_180], %mul3A_154 : memref<8192xf32, #tpu.memory_space<vmem>>[vector<16xi32>], vector<16xf32>,
      %add3A_181 = arith.constant 5 : i32
      %add3A_182 = vector.broadcast %add3A_181 : i32 to vector<16xi32>
      %add3A_183 = arith.addi %add3A_25, %add3A_182 : vector<16xi32>
      tpu.vector_store_idx %arg7[%add3A_183], %mul3A_155 : memref<8192xf32, #tpu.memory_space<vmem>>[vector<16xi32>], vector<16xf32>,
      %add3A_184 = arith.constant 6 : i32
      %add3A_185 = vector.broadcast %add3A_184 : i32 to vector<16xi32>
      %add3A_186 = arith.addi %add3A_25, %add3A_185 : vector<16xi32>
      tpu.vector_store_idx %arg7[%add3A_186], %mul3A_156 : memref<8192xf32, #tpu.memory_space<vmem>>[vector<16xi32>], vector<16xf32>,
      %add3A_187 = arith.constant 7 : i32
      %add3A_188 = vector.broadcast %add3A_187 : i32 to vector<16xi32>
      %add3A_189 = arith.addi %add3A_25, %add3A_188 : vector<16xi32>
      tpu.vector_store_idx %arg7[%add3A_189], %mul3A_157 : memref<8192xf32, #tpu.memory_space<vmem>>[vector<16xi32>], vector<16xf32>,
      %add3A_190 = arith.constant 8 : i32
      %add3A_191 = vector.broadcast %add3A_190 : i32 to vector<16xi32>
      %add3A_192 = arith.addi %add3A_25, %add3A_191 : vector<16xi32>
      tpu.vector_store_idx %arg7[%add3A_192], %mul3A_158 : memref<8192xf32, #tpu.memory_space<vmem>>[vector<16xi32>], vector<16xf32>,
      %add3A_193 = arith.constant 9 : i32
      %add3A_194 = vector.broadcast %add3A_193 : i32 to vector<16xi32>
      %add3A_195 = arith.addi %add3A_25, %add3A_194 : vector<16xi32>
      tpu.vector_store_idx %arg7[%add3A_195], %mul3A_159 : memref<8192xf32, #tpu.memory_space<vmem>>[vector<16xi32>], vector<16xf32>,
      %add3A_196 = arith.constant 10 : i32
      %add3A_197 = vector.broadcast %add3A_196 : i32 to vector<16xi32>
      %add3A_198 = arith.addi %add3A_25, %add3A_197 : vector<16xi32>
      tpu.vector_store_idx %arg7[%add3A_198], %mul3A_160 : memref<8192xf32, #tpu.memory_space<vmem>>[vector<16xi32>], vector<16xf32>,
      %add3A_199 = arith.constant 11 : i32
      %add3A_200 = vector.broadcast %add3A_199 : i32 to vector<16xi32>
      %add3A_201 = arith.addi %add3A_25, %add3A_200 : vector<16xi32>
      tpu.vector_store_idx %arg7[%add3A_201], %mul3A_161 : memref<8192xf32, #tpu.memory_space<vmem>>[vector<16xi32>], vector<16xf32>,
      %add3A_202 = arith.constant 12 : i32
      %add3A_203 = vector.broadcast %add3A_202 : i32 to vector<16xi32>
      %add3A_204 = arith.addi %add3A_25, %add3A_203 : vector<16xi32>
      tpu.vector_store_idx %arg7[%add3A_204], %mul3A_162 : memref<8192xf32, #tpu.memory_space<vmem>>[vector<16xi32>], vector<16xf32>,
      %add3A_205 = arith.constant 13 : i32
      %add3A_206 = vector.broadcast %add3A_205 : i32 to vector<16xi32>
      %add3A_207 = arith.addi %add3A_25, %add3A_206 : vector<16xi32>
      tpu.vector_store_idx %arg7[%add3A_207], %mul3A_163 : memref<8192xf32, #tpu.memory_space<vmem>>[vector<16xi32>], vector<16xf32>,
      %add3A_208 = arith.constant 14 : i32
      %add3A_209 = vector.broadcast %add3A_208 : i32 to vector<16xi32>
      %add3A_210 = arith.addi %add3A_25, %add3A_209 : vector<16xi32>
      tpu.vector_store_idx %arg7[%add3A_210], %mul3A_164 : memref<8192xf32, #tpu.memory_space<vmem>>[vector<16xi32>], vector<16xf32>,
      %add3A_211 = arith.constant 15 : i32
      %add3A_212 = vector.broadcast %add3A_211 : i32 to vector<16xi32>
      %add3A_213 = arith.addi %add3A_25, %add3A_212 : vector<16xi32>
      tpu.vector_store_idx %arg7[%add3A_213], %mul3A_165 : memref<8192xf32, #tpu.memory_space<vmem>>[vector<16xi32>], vector<16xf32>,
      %broadcast_in_dim3A = arith.constant 0 : i32
      %broadcast_in_dim3A_214 = vector.broadcast %broadcast_in_dim3A : i32 to vector<16xi32>
      %broadcast_in_dim3A_215 = arith.constant -1.000000e+00 : f32
      %broadcast_in_dim3A_216 = vector.broadcast %broadcast_in_dim3A_215 : f32 to vector<16xf32>
      %broadcast_in_dim3A_217 = arith.constant 0 : i32
      %broadcast_in_dim3A_218 = vector.broadcast %broadcast_in_dim3A_217 : i32 to vector<16xi32>
      %broadcast_in_dim3A_219 = arith.constant 1 : i32
      %broadcast_in_dim3A_220 = vector.broadcast %broadcast_in_dim3A_219 : i32 to vector<16xi32>
      %gt3A = arith.cmpf ogt, %mul3A_151, %mul3A_150 : vector<16xf32>
      %gt3A_221 = arith.cmpf ogt, %mul3A_151, %broadcast_in_dim3A_216 : vector<16xf32>
      %select_n3A = arith.select %gt3A_221, %mul3A_151, %broadcast_in_dim3A_216 : vector<16xi1>, vector<16xf32>
      %select_n3A_222 = arith.select %gt3A, %mul3A_150, %select_n3A : vector<16xi1>, vector<16xf32>
      %select_n3A_223 = arith.select %gt3A_221, %broadcast_in_dim3A_220, %broadcast_in_dim3A_218 : vector<16xi1>, vector<16xi32>
      %select_n3A_224 = arith.select %gt3A, %broadcast_in_dim3A_214, %select_n3A_223 : vector<16xi1>, vector<16xi32>
      %select_n3A_225 = arith.select %gt3A, %mul3A_151, %mul3A_150 : vector<16xi1>, vector<16xf32>
      %select_n3A_226 = arith.select %gt3A, %broadcast_in_dim3A_220, %broadcast_in_dim3A_214 : vector<16xi1>, vector<16xi32>
      %broadcast_in_dim3A_227 = arith.constant 2 : i32
      %broadcast_in_dim3A_228 = vector.broadcast %broadcast_in_dim3A_227 : i32 to vector<16xi32>
      %gt3A_229 = arith.cmpf ogt, %mul3A_152, %select_n3A_225 : vector<16xf32>
      %gt3A_230 = arith.cmpf ogt, %mul3A_152, %select_n3A_222 : vector<16xf32>
      %select_n3A_231 = arith.select %gt3A_230, %mul3A_152, %select_n3A_222 : vector<16xi1>, vector<16xf32>
      %select_n3A_232 = arith.select %gt3A_229, %select_n3A_225, %select_n3A_231 : vector<16xi1>, vector<16xf32>
      %select_n3A_233 = arith.select %gt3A_230, %broadcast_in_dim3A_228, %select_n3A_224 : vector<16xi1>, vector<16xi32>
      %select_n3A_234 = arith.select %gt3A_229, %select_n3A_226, %select_n3A_233 : vector<16xi1>, vector<16xi32>
      %select_n3A_235 = arith.select %gt3A_229, %mul3A_152, %select_n3A_225 : vector<16xi1>, vector<16xf32>
      %select_n3A_236 = arith.select %gt3A_229, %broadcast_in_dim3A_228, %select_n3A_226 : vector<16xi1>, vector<16xi32>
      %broadcast_in_dim3A_237 = arith.constant 3 : i32
      %broadcast_in_dim3A_238 = vector.broadcast %broadcast_in_dim3A_237 : i32 to vector<16xi32>
      %gt3A_239 = arith.cmpf ogt, %mul3A_153, %select_n3A_235 : vector<16xf32>
      %gt3A_240 = arith.cmpf ogt, %mul3A_153, %select_n3A_232 : vector<16xf32>
      %select_n3A_241 = arith.select %gt3A_240, %mul3A_153, %select_n3A_232 : vector<16xi1>, vector<16xf32>
      %select_n3A_242 = arith.select %gt3A_239, %select_n3A_235, %select_n3A_241 : vector<16xi1>, vector<16xf32>
      %select_n3A_243 = arith.select %gt3A_240, %broadcast_in_dim3A_238, %select_n3A_234 : vector<16xi1>, vector<16xi32>
      %select_n3A_244 = arith.select %gt3A_239, %select_n3A_236, %select_n3A_243 : vector<16xi1>, vector<16xi32>
      %select_n3A_245 = arith.select %gt3A_239, %mul3A_153, %select_n3A_235 : vector<16xi1>, vector<16xf32>
      %select_n3A_246 = arith.select %gt3A_239, %broadcast_in_dim3A_238, %select_n3A_236 : vector<16xi1>, vector<16xi32>
      %broadcast_in_dim3A_247 = arith.constant 4 : i32
      %broadcast_in_dim3A_248 = vector.broadcast %broadcast_in_dim3A_247 : i32 to vector<16xi32>
      %gt3A_249 = arith.cmpf ogt, %mul3A_154, %select_n3A_245 : vector<16xf32>
      %gt3A_250 = arith.cmpf ogt, %mul3A_154, %select_n3A_242 : vector<16xf32>
      %select_n3A_251 = arith.select %gt3A_250, %mul3A_154, %select_n3A_242 : vector<16xi1>, vector<16xf32>
      %select_n3A_252 = arith.select %gt3A_249, %select_n3A_245, %select_n3A_251 : vector<16xi1>, vector<16xf32>
      %select_n3A_253 = arith.select %gt3A_250, %broadcast_in_dim3A_248, %select_n3A_244 : vector<16xi1>, vector<16xi32>
      %select_n3A_254 = arith.select %gt3A_249, %select_n3A_246, %select_n3A_253 : vector<16xi1>, vector<16xi32>
      %select_n3A_255 = arith.select %gt3A_249, %mul3A_154, %select_n3A_245 : vector<16xi1>, vector<16xf32>
      %select_n3A_256 = arith.select %gt3A_249, %broadcast_in_dim3A_248, %select_n3A_246 : vector<16xi1>, vector<16xi32>
      %broadcast_in_dim3A_257 = arith.constant 5 : i32
      %broadcast_in_dim3A_258 = vector.broadcast %broadcast_in_dim3A_257 : i32 to vector<16xi32>
      %gt3A_259 = arith.cmpf ogt, %mul3A_155, %select_n3A_255 : vector<16xf32>
      %gt3A_260 = arith.cmpf ogt, %mul3A_155, %select_n3A_252 : vector<16xf32>
      %select_n3A_261 = arith.select %gt3A_260, %mul3A_155, %select_n3A_252 : vector<16xi1>, vector<16xf32>
      %select_n3A_262 = arith.select %gt3A_259, %select_n3A_255, %select_n3A_261 : vector<16xi1>, vector<16xf32>
      %select_n3A_263 = arith.select %gt3A_260, %broadcast_in_dim3A_258, %select_n3A_254 : vector<16xi1>, vector<16xi32>
      %select_n3A_264 = arith.select %gt3A_259, %select_n3A_256, %select_n3A_263 : vector<16xi1>, vector<16xi32>
      %select_n3A_265 = arith.select %gt3A_259, %mul3A_155, %select_n3A_255 : vector<16xi1>, vector<16xf32>
      %select_n3A_266 = arith.select %gt3A_259, %broadcast_in_dim3A_258, %select_n3A_256 : vector<16xi1>, vector<16xi32>
      %broadcast_in_dim3A_267 = arith.constant 6 : i32
      %broadcast_in_dim3A_268 = vector.broadcast %broadcast_in_dim3A_267 : i32 to vector<16xi32>
      %gt3A_269 = arith.cmpf ogt, %mul3A_156, %select_n3A_265 : vector<16xf32>
      %gt3A_270 = arith.cmpf ogt, %mul3A_156, %select_n3A_262 : vector<16xf32>
      %select_n3A_271 = arith.select %gt3A_270, %mul3A_156, %select_n3A_262 : vector<16xi1>, vector<16xf32>
      %select_n3A_272 = arith.select %gt3A_269, %select_n3A_265, %select_n3A_271 : vector<16xi1>, vector<16xf32>
      %select_n3A_273 = arith.select %gt3A_270, %broadcast_in_dim3A_268, %select_n3A_264 : vector<16xi1>, vector<16xi32>
      %select_n3A_274 = arith.select %gt3A_269, %select_n3A_266, %select_n3A_273 : vector<16xi1>, vector<16xi32>
      %select_n3A_275 = arith.select %gt3A_269, %mul3A_156, %select_n3A_265 : vector<16xi1>, vector<16xf32>
      %select_n3A_276 = arith.select %gt3A_269, %broadcast_in_dim3A_268, %select_n3A_266 : vector<16xi1>, vector<16xi32>
      %broadcast_in_dim3A_277 = arith.constant 7 : i32
      %broadcast_in_dim3A_278 = vector.broadcast %broadcast_in_dim3A_277 : i32 to vector<16xi32>
      %gt3A_279 = arith.cmpf ogt, %mul3A_157, %select_n3A_275 : vector<16xf32>
      %gt3A_280 = arith.cmpf ogt, %mul3A_157, %select_n3A_272 : vector<16xf32>
      %select_n3A_281 = arith.select %gt3A_280, %mul3A_157, %select_n3A_272 : vector<16xi1>, vector<16xf32>
      %select_n3A_282 = arith.select %gt3A_279, %select_n3A_275, %select_n3A_281 : vector<16xi1>, vector<16xf32>
      %select_n3A_283 = arith.select %gt3A_280, %broadcast_in_dim3A_278, %select_n3A_274 : vector<16xi1>, vector<16xi32>
      %select_n3A_284 = arith.select %gt3A_279, %select_n3A_276, %select_n3A_283 : vector<16xi1>, vector<16xi32>
      %select_n3A_285 = arith.select %gt3A_279, %mul3A_157, %select_n3A_275 : vector<16xi1>, vector<16xf32>
      %select_n3A_286 = arith.select %gt3A_279, %broadcast_in_dim3A_278, %select_n3A_276 : vector<16xi1>, vector<16xi32>
      %broadcast_in_dim3A_287 = arith.constant 8 : i32
      %broadcast_in_dim3A_288 = vector.broadcast %broadcast_in_dim3A_287 : i32 to vector<16xi32>
      %gt3A_289 = arith.cmpf ogt, %mul3A_158, %select_n3A_285 : vector<16xf32>
      %gt3A_290 = arith.cmpf ogt, %mul3A_158, %select_n3A_282 : vector<16xf32>
      %select_n3A_291 = arith.select %gt3A_290, %mul3A_158, %select_n3A_282 : vector<16xi1>, vector<16xf32>
      %select_n3A_292 = arith.select %gt3A_289, %select_n3A_285, %select_n3A_291 : vector<16xi1>, vector<16xf32>
      %select_n3A_293 = arith.select %gt3A_290, %broadcast_in_dim3A_288, %select_n3A_284 : vector<16xi1>, vector<16xi32>
      %select_n3A_294 = arith.select %gt3A_289, %select_n3A_286, %select_n3A_293 : vector<16xi1>, vector<16xi32>
      %select_n3A_295 = arith.select %gt3A_289, %mul3A_158, %select_n3A_285 : vector<16xi1>, vector<16xf32>
      %select_n3A_296 = arith.select %gt3A_289, %broadcast_in_dim3A_288, %select_n3A_286 : vector<16xi1>, vector<16xi32>
      %broadcast_in_dim3A_297 = arith.constant 9 : i32
      %broadcast_in_dim3A_298 = vector.broadcast %broadcast_in_dim3A_297 : i32 to vector<16xi32>
      %gt3A_299 = arith.cmpf ogt, %mul3A_159, %select_n3A_295 : vector<16xf32>
      %gt3A_300 = arith.cmpf ogt, %mul3A_159, %select_n3A_292 : vector<16xf32>
      %select_n3A_301 = arith.select %gt3A_300, %mul3A_159, %select_n3A_292 : vector<16xi1>, vector<16xf32>
      %select_n3A_302 = arith.select %gt3A_299, %select_n3A_295, %select_n3A_301 : vector<16xi1>, vector<16xf32>
      %select_n3A_303 = arith.select %gt3A_300, %broadcast_in_dim3A_298, %select_n3A_294 : vector<16xi1>, vector<16xi32>
      %select_n3A_304 = arith.select %gt3A_299, %select_n3A_296, %select_n3A_303 : vector<16xi1>, vector<16xi32>
      %select_n3A_305 = arith.select %gt3A_299, %mul3A_159, %select_n3A_295 : vector<16xi1>, vector<16xf32>
      %select_n3A_306 = arith.select %gt3A_299, %broadcast_in_dim3A_298, %select_n3A_296 : vector<16xi1>, vector<16xi32>
      %broadcast_in_dim3A_307 = arith.constant 10 : i32
      %broadcast_in_dim3A_308 = vector.broadcast %broadcast_in_dim3A_307 : i32 to vector<16xi32>
      %gt3A_309 = arith.cmpf ogt, %mul3A_160, %select_n3A_305 : vector<16xf32>
      %gt3A_310 = arith.cmpf ogt, %mul3A_160, %select_n3A_302 : vector<16xf32>
      %select_n3A_311 = arith.select %gt3A_310, %mul3A_160, %select_n3A_302 : vector<16xi1>, vector<16xf32>
      %select_n3A_312 = arith.select %gt3A_309, %select_n3A_305, %select_n3A_311 : vector<16xi1>, vector<16xf32>
      %select_n3A_313 = arith.select %gt3A_310, %broadcast_in_dim3A_308, %select_n3A_304 : vector<16xi1>, vector<16xi32>
      %select_n3A_314 = arith.select %gt3A_309, %select_n3A_306, %select_n3A_313 : vector<16xi1>, vector<16xi32>
      %select_n3A_315 = arith.select %gt3A_309, %mul3A_160, %select_n3A_305 : vector<16xi1>, vector<16xf32>
      %select_n3A_316 = arith.select %gt3A_309, %broadcast_in_dim3A_308, %select_n3A_306 : vector<16xi1>, vector<16xi32>
      %broadcast_in_dim3A_317 = arith.constant 11 : i32
      %broadcast_in_dim3A_318 = vector.broadcast %broadcast_in_dim3A_317 : i32 to vector<16xi32>
      %gt3A_319 = arith.cmpf ogt, %mul3A_161, %select_n3A_315 : vector<16xf32>
      %gt3A_320 = arith.cmpf ogt, %mul3A_161, %select_n3A_312 : vector<16xf32>
      %select_n3A_321 = arith.select %gt3A_320, %mul3A_161, %select_n3A_312 : vector<16xi1>, vector<16xf32>
      %select_n3A_322 = arith.select %gt3A_319, %select_n3A_315, %select_n3A_321 : vector<16xi1>, vector<16xf32>
      %select_n3A_323 = arith.select %gt3A_320, %broadcast_in_dim3A_318, %select_n3A_314 : vector<16xi1>, vector<16xi32>
      %select_n3A_324 = arith.select %gt3A_319, %select_n3A_316, %select_n3A_323 : vector<16xi1>, vector<16xi32>
      %select_n3A_325 = arith.select %gt3A_319, %mul3A_161, %select_n3A_315 : vector<16xi1>, vector<16xf32>
      %select_n3A_326 = arith.select %gt3A_319, %broadcast_in_dim3A_318, %select_n3A_316 : vector<16xi1>, vector<16xi32>
      %broadcast_in_dim3A_327 = arith.constant 12 : i32
      %broadcast_in_dim3A_328 = vector.broadcast %broadcast_in_dim3A_327 : i32 to vector<16xi32>
      %gt3A_329 = arith.cmpf ogt, %mul3A_162, %select_n3A_325 : vector<16xf32>
      %gt3A_330 = arith.cmpf ogt, %mul3A_162, %select_n3A_322 : vector<16xf32>
      %select_n3A_331 = arith.select %gt3A_330, %mul3A_162, %select_n3A_322 : vector<16xi1>, vector<16xf32>
      %select_n3A_332 = arith.select %gt3A_329, %select_n3A_325, %select_n3A_331 : vector<16xi1>, vector<16xf32>
      %select_n3A_333 = arith.select %gt3A_330, %broadcast_in_dim3A_328, %select_n3A_324 : vector<16xi1>, vector<16xi32>
      %select_n3A_334 = arith.select %gt3A_329, %select_n3A_326, %select_n3A_333 : vector<16xi1>, vector<16xi32>
      %select_n3A_335 = arith.select %gt3A_329, %mul3A_162, %select_n3A_325 : vector<16xi1>, vector<16xf32>
      %select_n3A_336 = arith.select %gt3A_329, %broadcast_in_dim3A_328, %select_n3A_326 : vector<16xi1>, vector<16xi32>
      %broadcast_in_dim3A_337 = arith.constant 13 : i32
      %broadcast_in_dim3A_338 = vector.broadcast %broadcast_in_dim3A_337 : i32 to vector<16xi32>
      %gt3A_339 = arith.cmpf ogt, %mul3A_163, %select_n3A_335 : vector<16xf32>
      %gt3A_340 = arith.cmpf ogt, %mul3A_163, %select_n3A_332 : vector<16xf32>
      %select_n3A_341 = arith.select %gt3A_340, %mul3A_163, %select_n3A_332 : vector<16xi1>, vector<16xf32>
      %select_n3A_342 = arith.select %gt3A_339, %select_n3A_335, %select_n3A_341 : vector<16xi1>, vector<16xf32>
      %select_n3A_343 = arith.select %gt3A_340, %broadcast_in_dim3A_338, %select_n3A_334 : vector<16xi1>, vector<16xi32>
      %select_n3A_344 = arith.select %gt3A_339, %select_n3A_336, %select_n3A_343 : vector<16xi1>, vector<16xi32>
      %select_n3A_345 = arith.select %gt3A_339, %mul3A_163, %select_n3A_335 : vector<16xi1>, vector<16xf32>
      %select_n3A_346 = arith.select %gt3A_339, %broadcast_in_dim3A_338, %select_n3A_336 : vector<16xi1>, vector<16xi32>
      %broadcast_in_dim3A_347 = arith.constant 14 : i32
      %broadcast_in_dim3A_348 = vector.broadcast %broadcast_in_dim3A_347 : i32 to vector<16xi32>
      %gt3A_349 = arith.cmpf ogt, %mul3A_164, %select_n3A_345 : vector<16xf32>
      %gt3A_350 = arith.cmpf ogt, %mul3A_164, %select_n3A_342 : vector<16xf32>
      %select_n3A_351 = arith.select %gt3A_350, %mul3A_164, %select_n3A_342 : vector<16xi1>, vector<16xf32>
      %select_n3A_352 = arith.select %gt3A_349, %select_n3A_345, %select_n3A_351 : vector<16xi1>, vector<16xf32>
      %select_n3A_353 = arith.select %gt3A_350, %broadcast_in_dim3A_348, %select_n3A_344 : vector<16xi1>, vector<16xi32>
      %select_n3A_354 = arith.select %gt3A_349, %select_n3A_346, %select_n3A_353 : vector<16xi1>, vector<16xi32>
      %select_n3A_355 = arith.select %gt3A_349, %mul3A_164, %select_n3A_345 : vector<16xi1>, vector<16xf32>
      %select_n3A_356 = arith.select %gt3A_349, %broadcast_in_dim3A_348, %select_n3A_346 : vector<16xi1>, vector<16xi32>
      %broadcast_in_dim3A_357 = arith.constant 15 : i32
      %broadcast_in_dim3A_358 = vector.broadcast %broadcast_in_dim3A_357 : i32 to vector<16xi32>
      %gt3A_359 = arith.cmpf ogt, %mul3A_165, %select_n3A_355 : vector<16xf32>
      %gt3A_360 = arith.cmpf ogt, %mul3A_165, %select_n3A_352 : vector<16xf32>
      %select_n3A_361 = arith.select %gt3A_360, %mul3A_165, %select_n3A_352 : vector<16xi1>, vector<16xf32>
      %select_n3A_362 = arith.select %gt3A_359, %select_n3A_355, %select_n3A_361 : vector<16xi1>, vector<16xf32>
      %select_n3A_363 = arith.select %gt3A_360, %broadcast_in_dim3A_358, %select_n3A_354 : vector<16xi1>, vector<16xi32>
      %select_n3A_364 = arith.select %gt3A_359, %select_n3A_356, %select_n3A_363 : vector<16xi1>, vector<16xi32>
      %select_n3A_365 = arith.select %gt3A_359, %mul3A_165, %select_n3A_355 : vector<16xi1>, vector<16xf32>
      %select_n3A_366 = arith.select %gt3A_359, %broadcast_in_dim3A_358, %select_n3A_356 : vector<16xi1>, vector<16xi32>
      %add3A_367 = arith.addf %select_n3A_365, %select_n3A_362 : vector<16xf32>
      %mul3A_368 = arith.constant 32 : i32
      %mul3A_369 = arith.muli %scan3A_17, %mul3A_368 : i32
      %mul3A_370 = arith.constant 2 : i32
      %mul3A_371 = vector.broadcast %mul3A_370 : i32 to vector<16xi32>
      %mul3A_372 = arith.muli %iota3A, %mul3A_371 : vector<16xi32>
      %add3A_373 = vector.broadcast %mul3A_369 : i32 to vector<16xi32>
      %add3A_374 = arith.addi %add3A_373, %mul3A_372 : vector<16xi32>
      %add3A_375 = arith.constant 1 : i32
      %add3A_376 = vector.broadcast %add3A_375 : i32 to vector<16xi32>
      %add3A_377 = arith.addi %add3A_374, %add3A_376 : vector<16xi32>
      %div3A_378 = arith.divf %select_n3A_365, %add3A_367 : vector<16xf32>
      tpu.vector_store_idx %arg8[%add3A_374], %div3A_378 : memref<1024xf32, #tpu.memory_space<vmem>>[vector<16xi32>], vector<16xf32>,
      %div3A_379 = arith.divf %select_n3A_362, %add3A_367 : vector<16xf32>
      tpu.vector_store_idx %arg8[%add3A_377], %div3A_379 : memref<1024xf32, #tpu.memory_space<vmem>>[vector<16xi32>], vector<16xf32>,
      tpu.vector_store_idx %arg9[%add3A_374], %select_n3A_366 : memref<1024xi32, #tpu.memory_space<vmem>>[vector<16xi32>], vector<16xi32>,
      tpu.vector_store_idx %arg9[%add3A_377], %select_n3A_364 : memref<1024xi32, #tpu.memory_space<vmem>>[vector<16xi32>], vector<16xi32>,
      %scan3A_380 = arith.constant 0 : i32
      scf.yield %scan3A_380 : i32
    }
    %scan3A_10 = arith.constant 32 : i32
    %mul3A_11 = arith.constant 16 : i32
    %mul3A_12 = arith.muli %mul3A_2, %mul3A_11 : i32
    "tpu.region"() ({
      %run_scoped3A = tpu.sem_alloc : memref<!tpu.dma_semaphore, #tpu.memory_space<semaphore_mem>>
      %dma_start3A = tpu.memref_slice %arg3[%mul3A_12] : memref<262144xf32, #tpu.memory_space<hbm>> -> memref<8192xf32, #tpu.memory_space<hbm>>
      %dma_start3A_17 = tpu.memref_slice %arg3[%mul3A_12] : memref<262144xf32, #tpu.memory_space<hbm>> -> memref<8192xf32, #tpu.memory_space<hbm>>
      tpu.enqueue_dma source(%arg7 : memref<8192xf32, #tpu.memory_space<vmem>>) target(%dma_start3A_17 : memref<8192xf32, #tpu.memory_space<hbm>>) target_semaphore(%run_scoped3A : memref<!tpu.dma_semaphore, #tpu.memory_space<semaphore_mem>>)
      %dma_wait3A = tpu.memref_slice %arg3[%mul3A_12] : memref<262144xf32, #tpu.memory_space<hbm>> -> memref<8192xf32, #tpu.memory_space<hbm>>
      %dma_wait3A_18 = tpu.memref_slice %arg3[%mul3A_12] : memref<262144xf32, #tpu.memory_space<hbm>> -> memref<8192xf32, #tpu.memory_space<hbm>>
      tpu.wait_dma2 semaphore(%run_scoped3A : memref<!tpu.dma_semaphore, #tpu.memory_space<semaphore_mem>>) src(%arg7 : memref<8192xf32, #tpu.memory_space<vmem>>) dst(%dma_wait3A_18 : memref<8192xf32, #tpu.memory_space<hbm>>)
      tpu.yield
    }) : () -> ()
    %mul3A_13 = arith.constant 2 : i32
    %mul3A_14 = arith.muli %mul3A_13, %mul3A_2 : i32
    "tpu.region"() ({
      %run_scoped3A = tpu.sem_alloc : memref<!tpu.dma_semaphore, #tpu.memory_space<semaphore_mem>>
      %dma_start3A = tpu.memref_slice %arg4[%mul3A_14] : memref<32768xf32, #tpu.memory_space<hbm>> -> memref<1024xf32, #tpu.memory_space<hbm>>
      %dma_start3A_17 = tpu.memref_slice %arg4[%mul3A_14] : memref<32768xf32, #tpu.memory_space<hbm>> -> memref<1024xf32, #tpu.memory_space<hbm>>
      tpu.enqueue_dma source(%arg8 : memref<1024xf32, #tpu.memory_space<vmem>>) target(%dma_start3A_17 : memref<1024xf32, #tpu.memory_space<hbm>>) target_semaphore(%run_scoped3A : memref<!tpu.dma_semaphore, #tpu.memory_space<semaphore_mem>>)
      %dma_wait3A = tpu.memref_slice %arg4[%mul3A_14] : memref<32768xf32, #tpu.memory_space<hbm>> -> memref<1024xf32, #tpu.memory_space<hbm>>
      %dma_wait3A_18 = tpu.memref_slice %arg4[%mul3A_14] : memref<32768xf32, #tpu.memory_space<hbm>> -> memref<1024xf32, #tpu.memory_space<hbm>>
      tpu.wait_dma2 semaphore(%run_scoped3A : memref<!tpu.dma_semaphore, #tpu.memory_space<semaphore_mem>>) src(%arg8 : memref<1024xf32, #tpu.memory_space<vmem>>) dst(%dma_wait3A_18 : memref<1024xf32, #tpu.memory_space<hbm>>)
      tpu.yield
    }) : () -> ()
    %mul3A_15 = arith.constant 2 : i32
    %mul3A_16 = arith.muli %mul3A_15, %mul3A_2 : i32
    "tpu.region"() ({
      %run_scoped3A = tpu.sem_alloc : memref<!tpu.dma_semaphore, #tpu.memory_space<semaphore_mem>>
      %dma_start3A = tpu.memref_slice %arg5[%mul3A_16] : memref<32768xi32, #tpu.memory_space<hbm>> -> memref<1024xi32, #tpu.memory_space<hbm>>
      %dma_start3A_17 = tpu.memref_slice %arg5[%mul3A_16] : memref<32768xi32, #tpu.memory_space<hbm>> -> memref<1024xi32, #tpu.memory_space<hbm>>
      tpu.enqueue_dma source(%arg9 : memref<1024xi32, #tpu.memory_space<vmem>>) target(%dma_start3A_17 : memref<1024xi32, #tpu.memory_space<hbm>>) target_semaphore(%run_scoped3A : memref<!tpu.dma_semaphore, #tpu.memory_space<semaphore_mem>>)
      %dma_wait3A = tpu.memref_slice %arg5[%mul3A_16] : memref<32768xi32, #tpu.memory_space<hbm>> -> memref<1024xi32, #tpu.memory_space<hbm>>
      %dma_wait3A_18 = tpu.memref_slice %arg5[%mul3A_16] : memref<32768xi32, #tpu.memory_space<hbm>> -> memref<1024xi32, #tpu.memory_space<hbm>>
      tpu.wait_dma2 semaphore(%run_scoped3A : memref<!tpu.dma_semaphore, #tpu.memory_space<semaphore_mem>>) src(%arg9 : memref<1024xi32, #tpu.memory_space<vmem>>) dst(%dma_wait3A_18 : memref<1024xi32, #tpu.memory_space<hbm>>)
      tpu.yield
    }) : () -> ()
    return
  }
}

module attributes {stable_mosaic.version = 14 : i64} {
  func.func @_matmul_body(%arg0: memref<16384x2048xf32, #tpu.memory_space<any>>, %arg1: memref<2048x16xf32, #tpu.memory_space<vmem>>, %arg2: memref<16384x16xf32, #tpu.memory_space<any>>, %arg3: memref<8x256x2048xf32, #tpu.memory_space<vmem>>, %arg4: memref<8x2x!tpu.dma_semaphore, #tpu.memory_space<semaphore_mem>>, %arg5: memref<4x256x16xf32, #tpu.memory_space<vmem>>, %arg6: memref<4x!tpu.dma_semaphore, #tpu.memory_space<semaphore_mem>>) attributes {dimension_semantics = [], scalar_prefetch = 0 : i64, scratch_operands = 4 : i64, tpu.core_type = #tpu.core_type<tc>} {
    %dma_start3A = arith.constant 0 : i32
    %dma_start3A_0 = arith.constant 0 : i32
    %dma_start3A_1 = arith.constant 0 : i32
    %dma_start3A_2 = tpu.memref_slice %arg4[%dma_start3A_0, %dma_start3A_1] : memref<8x2x!tpu.dma_semaphore, #tpu.memory_space<semaphore_mem>> -> memref<1x1x!tpu.dma_semaphore, #tpu.memory_space<semaphore_mem>>
    %dma_start3A_3 = tpu.memref_squeeze %dma_start3A_2 : memref<1x1x!tpu.dma_semaphore, #tpu.memory_space<semaphore_mem>> -> memref<!tpu.dma_semaphore, #tpu.memory_space<semaphore_mem>>
    %dma_start3A_4 = arith.constant 0 : i32
    %dma_start3A_5 = arith.constant 0 : i32
    %dma_start3A_6 = tpu.memref_slice %arg3[%dma_start3A, %dma_start3A_4, %dma_start3A_5] : memref<8x256x2048xf32, #tpu.memory_space<vmem>> -> memref<1x256x1024xf32, #tpu.memory_space<vmem>>
    %dma_start3A_7 = tpu.memref_squeeze %dma_start3A_6 : memref<1x256x1024xf32, #tpu.memory_space<vmem>> -> memref<256x1024xf32, #tpu.memory_space<vmem>>
    %dma_start3A_8 = arith.constant 0 : i32
    %dma_start3A_9 = arith.constant 0 : i32
    %dma_start3A_10 = tpu.memref_slice %arg0[%dma_start3A_8, %dma_start3A_9] : memref<16384x2048xf32, #tpu.memory_space<any>> -> memref<256x1024xf32, #tpu.memory_space<any>>
    tpu.enqueue_dma source(%dma_start3A_10 : memref<256x1024xf32, #tpu.memory_space<any>>) target(%dma_start3A_7 : memref<256x1024xf32, #tpu.memory_space<vmem>>) target_semaphore(%dma_start3A_3 : memref<!tpu.dma_semaphore, #tpu.memory_space<semaphore_mem>>)
    %dma_start3A_11 = arith.constant 0 : i32
    %dma_start3A_12 = arith.constant 0 : i32
    %dma_start3A_13 = arith.constant 1 : i32
    %dma_start3A_14 = tpu.memref_slice %arg4[%dma_start3A_12, %dma_start3A_13] : memref<8x2x!tpu.dma_semaphore, #tpu.memory_space<semaphore_mem>> -> memref<1x1x!tpu.dma_semaphore, #tpu.memory_space<semaphore_mem>>
    %dma_start3A_15 = tpu.memref_squeeze %dma_start3A_14 : memref<1x1x!tpu.dma_semaphore, #tpu.memory_space<semaphore_mem>> -> memref<!tpu.dma_semaphore, #tpu.memory_space<semaphore_mem>>
    %dma_start3A_16 = arith.constant 0 : i32
    %dma_start3A_17 = arith.constant 1024 : i32
    %dma_start3A_18 = tpu.memref_slice %arg3[%dma_start3A_11, %dma_start3A_16, %dma_start3A_17] : memref<8x256x2048xf32, #tpu.memory_space<vmem>> -> memref<1x256x1024xf32, #tpu.memory_space<vmem>>
    %dma_start3A_19 = tpu.memref_squeeze %dma_start3A_18 : memref<1x256x1024xf32, #tpu.memory_space<vmem>> -> memref<256x1024xf32, #tpu.memory_space<vmem>>
    %dma_start3A_20 = arith.constant 0 : i32
    %dma_start3A_21 = arith.constant 1024 : i32
    %dma_start3A_22 = tpu.memref_slice %arg0[%dma_start3A_20, %dma_start3A_21] : memref<16384x2048xf32, #tpu.memory_space<any>> -> memref<256x1024xf32, #tpu.memory_space<any>>
    tpu.enqueue_dma source(%dma_start3A_22 : memref<256x1024xf32, #tpu.memory_space<any>>) target(%dma_start3A_19 : memref<256x1024xf32, #tpu.memory_space<vmem>>) target_semaphore(%dma_start3A_15 : memref<!tpu.dma_semaphore, #tpu.memory_space<semaphore_mem>>)
    %dma_start3A_23 = arith.constant 1 : i32
    %dma_start3A_24 = arith.constant 1 : i32
    %dma_start3A_25 = arith.constant 0 : i32
    %dma_start3A_26 = tpu.memref_slice %arg4[%dma_start3A_24, %dma_start3A_25] : memref<8x2x!tpu.dma_semaphore, #tpu.memory_space<semaphore_mem>> -> memref<1x1x!tpu.dma_semaphore, #tpu.memory_space<semaphore_mem>>
    %dma_start3A_27 = tpu.memref_squeeze %dma_start3A_26 : memref<1x1x!tpu.dma_semaphore, #tpu.memory_space<semaphore_mem>> -> memref<!tpu.dma_semaphore, #tpu.memory_space<semaphore_mem>>
    %dma_start3A_28 = arith.constant 0 : i32
    %dma_start3A_29 = arith.constant 0 : i32
    %dma_start3A_30 = tpu.memref_slice %arg3[%dma_start3A_23, %dma_start3A_28, %dma_start3A_29] : memref<8x256x2048xf32, #tpu.memory_space<vmem>> -> memref<1x256x1024xf32, #tpu.memory_space<vmem>>
    %dma_start3A_31 = tpu.memref_squeeze %dma_start3A_30 : memref<1x256x1024xf32, #tpu.memory_space<vmem>> -> memref<256x1024xf32, #tpu.memory_space<vmem>>
    %dma_start3A_32 = arith.constant 256 : i32
    %dma_start3A_33 = arith.constant 0 : i32
    %dma_start3A_34 = tpu.memref_slice %arg0[%dma_start3A_32, %dma_start3A_33] : memref<16384x2048xf32, #tpu.memory_space<any>> -> memref<256x1024xf32, #tpu.memory_space<any>>
    tpu.enqueue_dma source(%dma_start3A_34 : memref<256x1024xf32, #tpu.memory_space<any>>) target(%dma_start3A_31 : memref<256x1024xf32, #tpu.memory_space<vmem>>) target_semaphore(%dma_start3A_27 : memref<!tpu.dma_semaphore, #tpu.memory_space<semaphore_mem>>)
    %dma_start3A_35 = arith.constant 1 : i32
    %dma_start3A_36 = arith.constant 1 : i32
    %dma_start3A_37 = arith.constant 1 : i32
    %dma_start3A_38 = tpu.memref_slice %arg4[%dma_start3A_36, %dma_start3A_37] : memref<8x2x!tpu.dma_semaphore, #tpu.memory_space<semaphore_mem>> -> memref<1x1x!tpu.dma_semaphore, #tpu.memory_space<semaphore_mem>>
    %dma_start3A_39 = tpu.memref_squeeze %dma_start3A_38 : memref<1x1x!tpu.dma_semaphore, #tpu.memory_space<semaphore_mem>> -> memref<!tpu.dma_semaphore, #tpu.memory_space<semaphore_mem>>
    %dma_start3A_40 = arith.constant 0 : i32
    %dma_start3A_41 = arith.constant 1024 : i32
    %dma_start3A_42 = tpu.memref_slice %arg3[%dma_start3A_35, %dma_start3A_40, %dma_start3A_41] : memref<8x256x2048xf32, #tpu.memory_space<vmem>> -> memref<1x256x1024xf32, #tpu.memory_space<vmem>>
    %dma_start3A_43 = tpu.memref_squeeze %dma_start3A_42 : memref<1x256x1024xf32, #tpu.memory_space<vmem>> -> memref<256x1024xf32, #tpu.memory_space<vmem>>
    %dma_start3A_44 = arith.constant 256 : i32
    %dma_start3A_45 = arith.constant 1024 : i32
    %dma_start3A_46 = tpu.memref_slice %arg0[%dma_start3A_44, %dma_start3A_45] : memref<16384x2048xf32, #tpu.memory_space<any>> -> memref<256x1024xf32, #tpu.memory_space<any>>
    tpu.enqueue_dma source(%dma_start3A_46 : memref<256x1024xf32, #tpu.memory_space<any>>) target(%dma_start3A_43 : memref<256x1024xf32, #tpu.memory_space<vmem>>) target_semaphore(%dma_start3A_39 : memref<!tpu.dma_semaphore, #tpu.memory_space<semaphore_mem>>)
    %dma_start3A_47 = arith.constant 2 : i32
    %dma_start3A_48 = arith.constant 2 : i32
    %dma_start3A_49 = arith.constant 0 : i32
    %dma_start3A_50 = tpu.memref_slice %arg4[%dma_start3A_48, %dma_start3A_49] : memref<8x2x!tpu.dma_semaphore, #tpu.memory_space<semaphore_mem>> -> memref<1x1x!tpu.dma_semaphore, #tpu.memory_space<semaphore_mem>>
    %dma_start3A_51 = tpu.memref_squeeze %dma_start3A_50 : memref<1x1x!tpu.dma_semaphore, #tpu.memory_space<semaphore_mem>> -> memref<!tpu.dma_semaphore, #tpu.memory_space<semaphore_mem>>
    %dma_start3A_52 = arith.constant 0 : i32
    %dma_start3A_53 = arith.constant 0 : i32
    %dma_start3A_54 = tpu.memref_slice %arg3[%dma_start3A_47, %dma_start3A_52, %dma_start3A_53] : memref<8x256x2048xf32, #tpu.memory_space<vmem>> -> memref<1x256x1024xf32, #tpu.memory_space<vmem>>
    %dma_start3A_55 = tpu.memref_squeeze %dma_start3A_54 : memref<1x256x1024xf32, #tpu.memory_space<vmem>> -> memref<256x1024xf32, #tpu.memory_space<vmem>>
    %dma_start3A_56 = arith.constant 512 : i32
    %dma_start3A_57 = arith.constant 0 : i32
    %dma_start3A_58 = tpu.memref_slice %arg0[%dma_start3A_56, %dma_start3A_57] : memref<16384x2048xf32, #tpu.memory_space<any>> -> memref<256x1024xf32, #tpu.memory_space<any>>
    tpu.enqueue_dma source(%dma_start3A_58 : memref<256x1024xf32, #tpu.memory_space<any>>) target(%dma_start3A_55 : memref<256x1024xf32, #tpu.memory_space<vmem>>) target_semaphore(%dma_start3A_51 : memref<!tpu.dma_semaphore, #tpu.memory_space<semaphore_mem>>)
    %dma_start3A_59 = arith.constant 2 : i32
    %dma_start3A_60 = arith.constant 2 : i32
    %dma_start3A_61 = arith.constant 1 : i32
    %dma_start3A_62 = tpu.memref_slice %arg4[%dma_start3A_60, %dma_start3A_61] : memref<8x2x!tpu.dma_semaphore, #tpu.memory_space<semaphore_mem>> -> memref<1x1x!tpu.dma_semaphore, #tpu.memory_space<semaphore_mem>>
    %dma_start3A_63 = tpu.memref_squeeze %dma_start3A_62 : memref<1x1x!tpu.dma_semaphore, #tpu.memory_space<semaphore_mem>> -> memref<!tpu.dma_semaphore, #tpu.memory_space<semaphore_mem>>
    %dma_start3A_64 = arith.constant 0 : i32
    %dma_start3A_65 = arith.constant 1024 : i32
    %dma_start3A_66 = tpu.memref_slice %arg3[%dma_start3A_59, %dma_start3A_64, %dma_start3A_65] : memref<8x256x2048xf32, #tpu.memory_space<vmem>> -> memref<1x256x1024xf32, #tpu.memory_space<vmem>>
    %dma_start3A_67 = tpu.memref_squeeze %dma_start3A_66 : memref<1x256x1024xf32, #tpu.memory_space<vmem>> -> memref<256x1024xf32, #tpu.memory_space<vmem>>
    %dma_start3A_68 = arith.constant 512 : i32
    %dma_start3A_69 = arith.constant 1024 : i32
    %dma_start3A_70 = tpu.memref_slice %arg0[%dma_start3A_68, %dma_start3A_69] : memref<16384x2048xf32, #tpu.memory_space<any>> -> memref<256x1024xf32, #tpu.memory_space<any>>
    tpu.enqueue_dma source(%dma_start3A_70 : memref<256x1024xf32, #tpu.memory_space<any>>) target(%dma_start3A_67 : memref<256x1024xf32, #tpu.memory_space<vmem>>) target_semaphore(%dma_start3A_63 : memref<!tpu.dma_semaphore, #tpu.memory_space<semaphore_mem>>)
    %dma_start3A_71 = arith.constant 3 : i32
    %dma_start3A_72 = arith.constant 3 : i32
    %dma_start3A_73 = arith.constant 0 : i32
    %dma_start3A_74 = tpu.memref_slice %arg4[%dma_start3A_72, %dma_start3A_73] : memref<8x2x!tpu.dma_semaphore, #tpu.memory_space<semaphore_mem>> -> memref<1x1x!tpu.dma_semaphore, #tpu.memory_space<semaphore_mem>>
    %dma_start3A_75 = tpu.memref_squeeze %dma_start3A_74 : memref<1x1x!tpu.dma_semaphore, #tpu.memory_space<semaphore_mem>> -> memref<!tpu.dma_semaphore, #tpu.memory_space<semaphore_mem>>
    %dma_start3A_76 = arith.constant 0 : i32
    %dma_start3A_77 = arith.constant 0 : i32
    %dma_start3A_78 = tpu.memref_slice %arg3[%dma_start3A_71, %dma_start3A_76, %dma_start3A_77] : memref<8x256x2048xf32, #tpu.memory_space<vmem>> -> memref<1x256x1024xf32, #tpu.memory_space<vmem>>
    %dma_start3A_79 = tpu.memref_squeeze %dma_start3A_78 : memref<1x256x1024xf32, #tpu.memory_space<vmem>> -> memref<256x1024xf32, #tpu.memory_space<vmem>>
    %dma_start3A_80 = arith.constant 768 : i32
    %dma_start3A_81 = arith.constant 0 : i32
    %dma_start3A_82 = tpu.memref_slice %arg0[%dma_start3A_80, %dma_start3A_81] : memref<16384x2048xf32, #tpu.memory_space<any>> -> memref<256x1024xf32, #tpu.memory_space<any>>
    tpu.enqueue_dma source(%dma_start3A_82 : memref<256x1024xf32, #tpu.memory_space<any>>) target(%dma_start3A_79 : memref<256x1024xf32, #tpu.memory_space<vmem>>) target_semaphore(%dma_start3A_75 : memref<!tpu.dma_semaphore, #tpu.memory_space<semaphore_mem>>)
    %dma_start3A_83 = arith.constant 3 : i32
    %dma_start3A_84 = arith.constant 3 : i32
    %dma_start3A_85 = arith.constant 1 : i32
    %dma_start3A_86 = tpu.memref_slice %arg4[%dma_start3A_84, %dma_start3A_85] : memref<8x2x!tpu.dma_semaphore, #tpu.memory_space<semaphore_mem>> -> memref<1x1x!tpu.dma_semaphore, #tpu.memory_space<semaphore_mem>>
    %dma_start3A_87 = tpu.memref_squeeze %dma_start3A_86 : memref<1x1x!tpu.dma_semaphore, #tpu.memory_space<semaphore_mem>> -> memref<!tpu.dma_semaphore, #tpu.memory_space<semaphore_mem>>
    %dma_start3A_88 = arith.constant 0 : i32
    %dma_start3A_89 = arith.constant 1024 : i32
    %dma_start3A_90 = tpu.memref_slice %arg3[%dma_start3A_83, %dma_start3A_88, %dma_start3A_89] : memref<8x256x2048xf32, #tpu.memory_space<vmem>> -> memref<1x256x1024xf32, #tpu.memory_space<vmem>>
    %dma_start3A_91 = tpu.memref_squeeze %dma_start3A_90 : memref<1x256x1024xf32, #tpu.memory_space<vmem>> -> memref<256x1024xf32, #tpu.memory_space<vmem>>
    %dma_start3A_92 = arith.constant 768 : i32
    %dma_start3A_93 = arith.constant 1024 : i32
    %dma_start3A_94 = tpu.memref_slice %arg0[%dma_start3A_92, %dma_start3A_93] : memref<16384x2048xf32, #tpu.memory_space<any>> -> memref<256x1024xf32, #tpu.memory_space<any>>
    tpu.enqueue_dma source(%dma_start3A_94 : memref<256x1024xf32, #tpu.memory_space<any>>) target(%dma_start3A_91 : memref<256x1024xf32, #tpu.memory_space<vmem>>) target_semaphore(%dma_start3A_87 : memref<!tpu.dma_semaphore, #tpu.memory_space<semaphore_mem>>)
    %dma_start3A_95 = arith.constant 4 : i32
    %dma_start3A_96 = arith.constant 4 : i32
    %dma_start3A_97 = arith.constant 0 : i32
    %dma_start3A_98 = tpu.memref_slice %arg4[%dma_start3A_96, %dma_start3A_97] : memref<8x2x!tpu.dma_semaphore, #tpu.memory_space<semaphore_mem>> -> memref<1x1x!tpu.dma_semaphore, #tpu.memory_space<semaphore_mem>>
    %dma_start3A_99 = tpu.memref_squeeze %dma_start3A_98 : memref<1x1x!tpu.dma_semaphore, #tpu.memory_space<semaphore_mem>> -> memref<!tpu.dma_semaphore, #tpu.memory_space<semaphore_mem>>
    %dma_start3A_100 = arith.constant 0 : i32
    %dma_start3A_101 = arith.constant 0 : i32
    %dma_start3A_102 = tpu.memref_slice %arg3[%dma_start3A_95, %dma_start3A_100, %dma_start3A_101] : memref<8x256x2048xf32, #tpu.memory_space<vmem>> -> memref<1x256x1024xf32, #tpu.memory_space<vmem>>
    %dma_start3A_103 = tpu.memref_squeeze %dma_start3A_102 : memref<1x256x1024xf32, #tpu.memory_space<vmem>> -> memref<256x1024xf32, #tpu.memory_space<vmem>>
    %dma_start3A_104 = arith.constant 1024 : i32
    %dma_start3A_105 = arith.constant 0 : i32
    %dma_start3A_106 = tpu.memref_slice %arg0[%dma_start3A_104, %dma_start3A_105] : memref<16384x2048xf32, #tpu.memory_space<any>> -> memref<256x1024xf32, #tpu.memory_space<any>>
    tpu.enqueue_dma source(%dma_start3A_106 : memref<256x1024xf32, #tpu.memory_space<any>>) target(%dma_start3A_103 : memref<256x1024xf32, #tpu.memory_space<vmem>>) target_semaphore(%dma_start3A_99 : memref<!tpu.dma_semaphore, #tpu.memory_space<semaphore_mem>>)
    %dma_start3A_107 = arith.constant 4 : i32
    %dma_start3A_108 = arith.constant 4 : i32
    %dma_start3A_109 = arith.constant 1 : i32
    %dma_start3A_110 = tpu.memref_slice %arg4[%dma_start3A_108, %dma_start3A_109] : memref<8x2x!tpu.dma_semaphore, #tpu.memory_space<semaphore_mem>> -> memref<1x1x!tpu.dma_semaphore, #tpu.memory_space<semaphore_mem>>
    %dma_start3A_111 = tpu.memref_squeeze %dma_start3A_110 : memref<1x1x!tpu.dma_semaphore, #tpu.memory_space<semaphore_mem>> -> memref<!tpu.dma_semaphore, #tpu.memory_space<semaphore_mem>>
    %dma_start3A_112 = arith.constant 0 : i32
    %dma_start3A_113 = arith.constant 1024 : i32
    %dma_start3A_114 = tpu.memref_slice %arg3[%dma_start3A_107, %dma_start3A_112, %dma_start3A_113] : memref<8x256x2048xf32, #tpu.memory_space<vmem>> -> memref<1x256x1024xf32, #tpu.memory_space<vmem>>
    %dma_start3A_115 = tpu.memref_squeeze %dma_start3A_114 : memref<1x256x1024xf32, #tpu.memory_space<vmem>> -> memref<256x1024xf32, #tpu.memory_space<vmem>>
    %dma_start3A_116 = arith.constant 1024 : i32
    %dma_start3A_117 = arith.constant 1024 : i32
    %dma_start3A_118 = tpu.memref_slice %arg0[%dma_start3A_116, %dma_start3A_117] : memref<16384x2048xf32, #tpu.memory_space<any>> -> memref<256x1024xf32, #tpu.memory_space<any>>
    tpu.enqueue_dma source(%dma_start3A_118 : memref<256x1024xf32, #tpu.memory_space<any>>) target(%dma_start3A_115 : memref<256x1024xf32, #tpu.memory_space<vmem>>) target_semaphore(%dma_start3A_111 : memref<!tpu.dma_semaphore, #tpu.memory_space<semaphore_mem>>)
    %dma_start3A_119 = arith.constant 5 : i32
    %dma_start3A_120 = arith.constant 5 : i32
    %dma_start3A_121 = arith.constant 0 : i32
    %dma_start3A_122 = tpu.memref_slice %arg4[%dma_start3A_120, %dma_start3A_121] : memref<8x2x!tpu.dma_semaphore, #tpu.memory_space<semaphore_mem>> -> memref<1x1x!tpu.dma_semaphore, #tpu.memory_space<semaphore_mem>>
    %dma_start3A_123 = tpu.memref_squeeze %dma_start3A_122 : memref<1x1x!tpu.dma_semaphore, #tpu.memory_space<semaphore_mem>> -> memref<!tpu.dma_semaphore, #tpu.memory_space<semaphore_mem>>
    %dma_start3A_124 = arith.constant 0 : i32
    %dma_start3A_125 = arith.constant 0 : i32
    %dma_start3A_126 = tpu.memref_slice %arg3[%dma_start3A_119, %dma_start3A_124, %dma_start3A_125] : memref<8x256x2048xf32, #tpu.memory_space<vmem>> -> memref<1x256x1024xf32, #tpu.memory_space<vmem>>
    %dma_start3A_127 = tpu.memref_squeeze %dma_start3A_126 : memref<1x256x1024xf32, #tpu.memory_space<vmem>> -> memref<256x1024xf32, #tpu.memory_space<vmem>>
    %dma_start3A_128 = arith.constant 1280 : i32
    %dma_start3A_129 = arith.constant 0 : i32
    %dma_start3A_130 = tpu.memref_slice %arg0[%dma_start3A_128, %dma_start3A_129] : memref<16384x2048xf32, #tpu.memory_space<any>> -> memref<256x1024xf32, #tpu.memory_space<any>>
    tpu.enqueue_dma source(%dma_start3A_130 : memref<256x1024xf32, #tpu.memory_space<any>>) target(%dma_start3A_127 : memref<256x1024xf32, #tpu.memory_space<vmem>>) target_semaphore(%dma_start3A_123 : memref<!tpu.dma_semaphore, #tpu.memory_space<semaphore_mem>>)
    %dma_start3A_131 = arith.constant 5 : i32
    %dma_start3A_132 = arith.constant 5 : i32
    %dma_start3A_133 = arith.constant 1 : i32
    %dma_start3A_134 = tpu.memref_slice %arg4[%dma_start3A_132, %dma_start3A_133] : memref<8x2x!tpu.dma_semaphore, #tpu.memory_space<semaphore_mem>> -> memref<1x1x!tpu.dma_semaphore, #tpu.memory_space<semaphore_mem>>
    %dma_start3A_135 = tpu.memref_squeeze %dma_start3A_134 : memref<1x1x!tpu.dma_semaphore, #tpu.memory_space<semaphore_mem>> -> memref<!tpu.dma_semaphore, #tpu.memory_space<semaphore_mem>>
    %dma_start3A_136 = arith.constant 0 : i32
    %dma_start3A_137 = arith.constant 1024 : i32
    %dma_start3A_138 = tpu.memref_slice %arg3[%dma_start3A_131, %dma_start3A_136, %dma_start3A_137] : memref<8x256x2048xf32, #tpu.memory_space<vmem>> -> memref<1x256x1024xf32, #tpu.memory_space<vmem>>
    %dma_start3A_139 = tpu.memref_squeeze %dma_start3A_138 : memref<1x256x1024xf32, #tpu.memory_space<vmem>> -> memref<256x1024xf32, #tpu.memory_space<vmem>>
    %dma_start3A_140 = arith.constant 1280 : i32
    %dma_start3A_141 = arith.constant 1024 : i32
    %dma_start3A_142 = tpu.memref_slice %arg0[%dma_start3A_140, %dma_start3A_141] : memref<16384x2048xf32, #tpu.memory_space<any>> -> memref<256x1024xf32, #tpu.memory_space<any>>
    tpu.enqueue_dma source(%dma_start3A_142 : memref<256x1024xf32, #tpu.memory_space<any>>) target(%dma_start3A_139 : memref<256x1024xf32, #tpu.memory_space<vmem>>) target_semaphore(%dma_start3A_135 : memref<!tpu.dma_semaphore, #tpu.memory_space<semaphore_mem>>)
    %dma_start3A_143 = arith.constant 6 : i32
    %dma_start3A_144 = arith.constant 6 : i32
    %dma_start3A_145 = arith.constant 0 : i32
    %dma_start3A_146 = tpu.memref_slice %arg4[%dma_start3A_144, %dma_start3A_145] : memref<8x2x!tpu.dma_semaphore, #tpu.memory_space<semaphore_mem>> -> memref<1x1x!tpu.dma_semaphore, #tpu.memory_space<semaphore_mem>>
    %dma_start3A_147 = tpu.memref_squeeze %dma_start3A_146 : memref<1x1x!tpu.dma_semaphore, #tpu.memory_space<semaphore_mem>> -> memref<!tpu.dma_semaphore, #tpu.memory_space<semaphore_mem>>
    %dma_start3A_148 = arith.constant 0 : i32
    %dma_start3A_149 = arith.constant 0 : i32
    %dma_start3A_150 = tpu.memref_slice %arg3[%dma_start3A_143, %dma_start3A_148, %dma_start3A_149] : memref<8x256x2048xf32, #tpu.memory_space<vmem>> -> memref<1x256x1024xf32, #tpu.memory_space<vmem>>
    %dma_start3A_151 = tpu.memref_squeeze %dma_start3A_150 : memref<1x256x1024xf32, #tpu.memory_space<vmem>> -> memref<256x1024xf32, #tpu.memory_space<vmem>>
    %dma_start3A_152 = arith.constant 1536 : i32
    %dma_start3A_153 = arith.constant 0 : i32
    %dma_start3A_154 = tpu.memref_slice %arg0[%dma_start3A_152, %dma_start3A_153] : memref<16384x2048xf32, #tpu.memory_space<any>> -> memref<256x1024xf32, #tpu.memory_space<any>>
    tpu.enqueue_dma source(%dma_start3A_154 : memref<256x1024xf32, #tpu.memory_space<any>>) target(%dma_start3A_151 : memref<256x1024xf32, #tpu.memory_space<vmem>>) target_semaphore(%dma_start3A_147 : memref<!tpu.dma_semaphore, #tpu.memory_space<semaphore_mem>>)
    %dma_start3A_155 = arith.constant 6 : i32
    %dma_start3A_156 = arith.constant 6 : i32
    %dma_start3A_157 = arith.constant 1 : i32
    %dma_start3A_158 = tpu.memref_slice %arg4[%dma_start3A_156, %dma_start3A_157] : memref<8x2x!tpu.dma_semaphore, #tpu.memory_space<semaphore_mem>> -> memref<1x1x!tpu.dma_semaphore, #tpu.memory_space<semaphore_mem>>
    %dma_start3A_159 = tpu.memref_squeeze %dma_start3A_158 : memref<1x1x!tpu.dma_semaphore, #tpu.memory_space<semaphore_mem>> -> memref<!tpu.dma_semaphore, #tpu.memory_space<semaphore_mem>>
    %dma_start3A_160 = arith.constant 0 : i32
    %dma_start3A_161 = arith.constant 1024 : i32
    %dma_start3A_162 = tpu.memref_slice %arg3[%dma_start3A_155, %dma_start3A_160, %dma_start3A_161] : memref<8x256x2048xf32, #tpu.memory_space<vmem>> -> memref<1x256x1024xf32, #tpu.memory_space<vmem>>
    %dma_start3A_163 = tpu.memref_squeeze %dma_start3A_162 : memref<1x256x1024xf32, #tpu.memory_space<vmem>> -> memref<256x1024xf32, #tpu.memory_space<vmem>>
    %dma_start3A_164 = arith.constant 1536 : i32
    %dma_start3A_165 = arith.constant 1024 : i32
    %dma_start3A_166 = tpu.memref_slice %arg0[%dma_start3A_164, %dma_start3A_165] : memref<16384x2048xf32, #tpu.memory_space<any>> -> memref<256x1024xf32, #tpu.memory_space<any>>
    tpu.enqueue_dma source(%dma_start3A_166 : memref<256x1024xf32, #tpu.memory_space<any>>) target(%dma_start3A_163 : memref<256x1024xf32, #tpu.memory_space<vmem>>) target_semaphore(%dma_start3A_159 : memref<!tpu.dma_semaphore, #tpu.memory_space<semaphore_mem>>)
    %dma_start3A_167 = arith.constant 7 : i32
    %dma_start3A_168 = arith.constant 7 : i32
    %dma_start3A_169 = arith.constant 0 : i32
    %dma_start3A_170 = tpu.memref_slice %arg4[%dma_start3A_168, %dma_start3A_169] : memref<8x2x!tpu.dma_semaphore, #tpu.memory_space<semaphore_mem>> -> memref<1x1x!tpu.dma_semaphore, #tpu.memory_space<semaphore_mem>>
    %dma_start3A_171 = tpu.memref_squeeze %dma_start3A_170 : memref<1x1x!tpu.dma_semaphore, #tpu.memory_space<semaphore_mem>> -> memref<!tpu.dma_semaphore, #tpu.memory_space<semaphore_mem>>
    %dma_start3A_172 = arith.constant 0 : i32
    %dma_start3A_173 = arith.constant 0 : i32
    %dma_start3A_174 = tpu.memref_slice %arg3[%dma_start3A_167, %dma_start3A_172, %dma_start3A_173] : memref<8x256x2048xf32, #tpu.memory_space<vmem>> -> memref<1x256x1024xf32, #tpu.memory_space<vmem>>
    %dma_start3A_175 = tpu.memref_squeeze %dma_start3A_174 : memref<1x256x1024xf32, #tpu.memory_space<vmem>> -> memref<256x1024xf32, #tpu.memory_space<vmem>>
    %dma_start3A_176 = arith.constant 1792 : i32
    %dma_start3A_177 = arith.constant 0 : i32
    %dma_start3A_178 = tpu.memref_slice %arg0[%dma_start3A_176, %dma_start3A_177] : memref<16384x2048xf32, #tpu.memory_space<any>> -> memref<256x1024xf32, #tpu.memory_space<any>>
    tpu.enqueue_dma source(%dma_start3A_178 : memref<256x1024xf32, #tpu.memory_space<any>>) target(%dma_start3A_175 : memref<256x1024xf32, #tpu.memory_space<vmem>>) target_semaphore(%dma_start3A_171 : memref<!tpu.dma_semaphore, #tpu.memory_space<semaphore_mem>>)
    %dma_start3A_179 = arith.constant 7 : i32
    %dma_start3A_180 = arith.constant 7 : i32
    %dma_start3A_181 = arith.constant 1 : i32
    %dma_start3A_182 = tpu.memref_slice %arg4[%dma_start3A_180, %dma_start3A_181] : memref<8x2x!tpu.dma_semaphore, #tpu.memory_space<semaphore_mem>> -> memref<1x1x!tpu.dma_semaphore, #tpu.memory_space<semaphore_mem>>
    %dma_start3A_183 = tpu.memref_squeeze %dma_start3A_182 : memref<1x1x!tpu.dma_semaphore, #tpu.memory_space<semaphore_mem>> -> memref<!tpu.dma_semaphore, #tpu.memory_space<semaphore_mem>>
    %dma_start3A_184 = arith.constant 0 : i32
    %dma_start3A_185 = arith.constant 1024 : i32
    %dma_start3A_186 = tpu.memref_slice %arg3[%dma_start3A_179, %dma_start3A_184, %dma_start3A_185] : memref<8x256x2048xf32, #tpu.memory_space<vmem>> -> memref<1x256x1024xf32, #tpu.memory_space<vmem>>
    %dma_start3A_187 = tpu.memref_squeeze %dma_start3A_186 : memref<1x256x1024xf32, #tpu.memory_space<vmem>> -> memref<256x1024xf32, #tpu.memory_space<vmem>>
    %dma_start3A_188 = arith.constant 1792 : i32
    %dma_start3A_189 = arith.constant 1024 : i32
    %dma_start3A_190 = tpu.memref_slice %arg0[%dma_start3A_188, %dma_start3A_189] : memref<16384x2048xf32, #tpu.memory_space<any>> -> memref<256x1024xf32, #tpu.memory_space<any>>
    tpu.enqueue_dma source(%dma_start3A_190 : memref<256x1024xf32, #tpu.memory_space<any>>) target(%dma_start3A_187 : memref<256x1024xf32, #tpu.memory_space<vmem>>) target_semaphore(%dma_start3A_183 : memref<!tpu.dma_semaphore, #tpu.memory_space<semaphore_mem>>)
    %get3A = arith.constant 0 : index
    %get3A_191 = arith.constant 0 : index
    %get3A_192 = vector.load %arg1[%get3A, %get3A_191] : memref<2048x16xf32, #tpu.memory_space<vmem>>, vector<2048x16xf32>
    %scan3A = arith.constant 0 : i32
    %scan3A_193 = arith.constant 64 : i32
    %scan3A_194 = arith.addi %scan3A, %scan3A_193 : i32
    %scan3A_195 = arith.constant 1 : i32
    scf.for %scan3A_243 = %scan3A to %scan3A_194 step %scan3A_195  : i32 {
      %rem3A_244 = arith.constant 8 : i32
      %rem3A_245 = arith.remsi %scan3A_243, %rem3A_244 : i32
      %rem3A_246 = arith.constant 4 : i32
      %rem3A_247 = arith.remsi %scan3A_243, %rem3A_246 : i32
      %dma_wait3A_248 = arith.constant 0 : i32
      %dma_wait3A_249 = tpu.memref_slice %arg4[%rem3A_245, %dma_wait3A_248] : memref<8x2x!tpu.dma_semaphore, #tpu.memory_space<semaphore_mem>> -> memref<1x1x!tpu.dma_semaphore, #tpu.memory_space<semaphore_mem>>
      %dma_wait3A_250 = tpu.memref_squeeze %dma_wait3A_249 : memref<1x1x!tpu.dma_semaphore, #tpu.memory_space<semaphore_mem>> -> memref<!tpu.dma_semaphore, #tpu.memory_space<semaphore_mem>>
      %dma_wait3A_251 = arith.constant 0 : i32
      %dma_wait3A_252 = arith.constant 0 : i32
      %dma_wait3A_253 = tpu.memref_slice %arg3[%rem3A_245, %dma_wait3A_251, %dma_wait3A_252] : memref<8x256x2048xf32, #tpu.memory_space<vmem>> -> memref<1x256x1024xf32, #tpu.memory_space<vmem>>
      %dma_wait3A_254 = tpu.memref_squeeze %dma_wait3A_253 : memref<1x256x1024xf32, #tpu.memory_space<vmem>> -> memref<256x1024xf32, #tpu.memory_space<vmem>>
      %dma_wait3A_255 = arith.constant 0 : i32
      %dma_wait3A_256 = arith.constant 0 : i32
      %dma_wait3A_257 = tpu.memref_slice %arg0[%dma_wait3A_255, %dma_wait3A_256] : memref<16384x2048xf32, #tpu.memory_space<any>> -> memref<256x1024xf32, #tpu.memory_space<any>>
      tpu.wait_dma2 semaphore(%dma_wait3A_250 : memref<!tpu.dma_semaphore, #tpu.memory_space<semaphore_mem>>) src(%dma_wait3A_257 : memref<256x1024xf32, #tpu.memory_space<any>>) dst(%dma_wait3A_254 : memref<256x1024xf32, #tpu.memory_space<vmem>>)
      %dma_wait3A_258 = arith.constant 1 : i32
      %dma_wait3A_259 = tpu.memref_slice %arg4[%rem3A_245, %dma_wait3A_258] : memref<8x2x!tpu.dma_semaphore, #tpu.memory_space<semaphore_mem>> -> memref<1x1x!tpu.dma_semaphore, #tpu.memory_space<semaphore_mem>>
      %dma_wait3A_260 = tpu.memref_squeeze %dma_wait3A_259 : memref<1x1x!tpu.dma_semaphore, #tpu.memory_space<semaphore_mem>> -> memref<!tpu.dma_semaphore, #tpu.memory_space<semaphore_mem>>
      %dma_wait3A_261 = arith.constant 0 : i32
      %dma_wait3A_262 = arith.constant 1024 : i32
      %dma_wait3A_263 = tpu.memref_slice %arg3[%rem3A_245, %dma_wait3A_261, %dma_wait3A_262] : memref<8x256x2048xf32, #tpu.memory_space<vmem>> -> memref<1x256x1024xf32, #tpu.memory_space<vmem>>
      %dma_wait3A_264 = tpu.memref_squeeze %dma_wait3A_263 : memref<1x256x1024xf32, #tpu.memory_space<vmem>> -> memref<256x1024xf32, #tpu.memory_space<vmem>>
      %dma_wait3A_265 = arith.constant 0 : i32
      %dma_wait3A_266 = arith.constant 0 : i32
      %dma_wait3A_267 = tpu.memref_slice %arg0[%dma_wait3A_265, %dma_wait3A_266] : memref<16384x2048xf32, #tpu.memory_space<any>> -> memref<256x1024xf32, #tpu.memory_space<any>>
      tpu.wait_dma2 semaphore(%dma_wait3A_260 : memref<!tpu.dma_semaphore, #tpu.memory_space<semaphore_mem>>) src(%dma_wait3A_267 : memref<256x1024xf32, #tpu.memory_space<any>>) dst(%dma_wait3A_264 : memref<256x1024xf32, #tpu.memory_space<vmem>>)
      %get3A_268 = arith.index_cast %rem3A_245 : i32 to index
      %get3A_269 = arith.constant 0 : index
      %get3A_270 = arith.constant 0 : index
      %get3A_271 = vector.load %arg3[%get3A_268, %get3A_269, %get3A_270] : memref<8x256x2048xf32, #tpu.memory_space<vmem>>, vector<1x256x2048xf32>
      %get3A_272 = vector.shape_cast %get3A_271 : vector<1x256x2048xf32> to vector<256x2048xf32>
      %dot_general3A = arith.constant dense<0.000000e+00> : vector<256x16xf32>
      %dot_general3A_273 = tpu.matmul %get3A_272, %get3A_192, %dot_general3A {dimension_numbers = #tpu.dot_dimension_numbers<[1], [0], [0], [1], [0, 0, 1, 1], [], []>, transpose_lhs_hint = false} : vector<256x2048xf32>, vector<2048x16xf32>, vector<256x16xf32> -> vector<256x16xf32>
      %add3A = arith.constant 8 : i32
      %add3A_274 = arith.addi %scan3A_243, %add3A : i32
      %lt3A = arith.constant 64 : i32
      %lt3A_275 = arith.cmpi slt, %add3A_274, %lt3A : i32
      %convert_element_type3A = arith.extui %lt3A_275 : i1 to i32
      %cond3A = arith.constant 0 : i32
      %cond3A_276 = arith.cmpi ne, %convert_element_type3A, %cond3A : i32
      scf.if %cond3A_276 {
        %add3A_295 = arith.constant 8 : i32
        %add3A_296 = arith.addi %scan3A_243, %add3A_295 : i32
        %mul3A_297 = arith.constant 256 : i32
        %mul3A_298 = arith.muli %add3A_296, %mul3A_297 : i32
        %dma_start3A_299 = arith.constant 0 : i32
        %dma_start3A_300 = tpu.memref_slice %arg4[%rem3A_245, %dma_start3A_299] : memref<8x2x!tpu.dma_semaphore, #tpu.memory_space<semaphore_mem>> -> memref<1x1x!tpu.dma_semaphore, #tpu.memory_space<semaphore_mem>>
        %dma_start3A_301 = tpu.memref_squeeze %dma_start3A_300 : memref<1x1x!tpu.dma_semaphore, #tpu.memory_space<semaphore_mem>> -> memref<!tpu.dma_semaphore, #tpu.memory_space<semaphore_mem>>
        %dma_start3A_302 = arith.constant 0 : i32
        %dma_start3A_303 = arith.constant 0 : i32
        %dma_start3A_304 = tpu.memref_slice %arg3[%rem3A_245, %dma_start3A_302, %dma_start3A_303] : memref<8x256x2048xf32, #tpu.memory_space<vmem>> -> memref<1x256x1024xf32, #tpu.memory_space<vmem>>
        %dma_start3A_305 = tpu.memref_squeeze %dma_start3A_304 : memref<1x256x1024xf32, #tpu.memory_space<vmem>> -> memref<256x1024xf32, #tpu.memory_space<vmem>>
        %dma_start3A_306 = arith.constant 0 : i32
        %dma_start3A_307 = tpu.memref_slice %arg0[%mul3A_298, %dma_start3A_306] : memref<16384x2048xf32, #tpu.memory_space<any>> -> memref<256x1024xf32, #tpu.memory_space<any>>
        tpu.enqueue_dma source(%dma_start3A_307 : memref<256x1024xf32, #tpu.memory_space<any>>) target(%dma_start3A_305 : memref<256x1024xf32, #tpu.memory_space<vmem>>) target_semaphore(%dma_start3A_301 : memref<!tpu.dma_semaphore, #tpu.memory_space<semaphore_mem>>)
        %mul3A_308 = arith.constant 256 : i32
        %mul3A_309 = arith.muli %add3A_296, %mul3A_308 : i32
        %dma_start3A_310 = arith.constant 1 : i32
        %dma_start3A_311 = tpu.memref_slice %arg4[%rem3A_245, %dma_start3A_310] : memref<8x2x!tpu.dma_semaphore, #tpu.memory_space<semaphore_mem>> -> memref<1x1x!tpu.dma_semaphore, #tpu.memory_space<semaphore_mem>>
        %dma_start3A_312 = tpu.memref_squeeze %dma_start3A_311 : memref<1x1x!tpu.dma_semaphore, #tpu.memory_space<semaphore_mem>> -> memref<!tpu.dma_semaphore, #tpu.memory_space<semaphore_mem>>
        %dma_start3A_313 = arith.constant 0 : i32
        %dma_start3A_314 = arith.constant 1024 : i32
        %dma_start3A_315 = tpu.memref_slice %arg3[%rem3A_245, %dma_start3A_313, %dma_start3A_314] : memref<8x256x2048xf32, #tpu.memory_space<vmem>> -> memref<1x256x1024xf32, #tpu.memory_space<vmem>>
        %dma_start3A_316 = tpu.memref_squeeze %dma_start3A_315 : memref<1x256x1024xf32, #tpu.memory_space<vmem>> -> memref<256x1024xf32, #tpu.memory_space<vmem>>
        %dma_start3A_317 = arith.constant 1024 : i32
        %dma_start3A_318 = tpu.memref_slice %arg0[%mul3A_309, %dma_start3A_317] : memref<16384x2048xf32, #tpu.memory_space<any>> -> memref<256x1024xf32, #tpu.memory_space<any>>
        tpu.enqueue_dma source(%dma_start3A_318 : memref<256x1024xf32, #tpu.memory_space<any>>) target(%dma_start3A_316 : memref<256x1024xf32, #tpu.memory_space<vmem>>) target_semaphore(%dma_start3A_312 : memref<!tpu.dma_semaphore, #tpu.memory_space<semaphore_mem>>)
      } else {
      }
      %ge3A = arith.constant 4 : i32
      %ge3A_277 = arith.cmpi sge, %scan3A_243, %ge3A : i32
      %convert_element_type3A_278 = arith.extui %ge3A_277 : i1 to i32
      %cond3A_279 = arith.constant 0 : i32
      %cond3A_280 = arith.cmpi ne, %convert_element_type3A_278, %cond3A_279 : i32
      scf.if %cond3A_280 {
        %sub3A = arith.constant 4 : i32
        %sub3A_295 = arith.subi %scan3A_243, %sub3A : i32
        %mul3A_296 = arith.constant 256 : i32
        %mul3A_297 = arith.muli %sub3A_295, %mul3A_296 : i32
        %dma_wait3A_298 = tpu.memref_slice %arg6[%rem3A_247] : memref<4x!tpu.dma_semaphore, #tpu.memory_space<semaphore_mem>> -> memref<1x!tpu.dma_semaphore, #tpu.memory_space<semaphore_mem>>
        %dma_wait3A_299 = tpu.memref_squeeze %dma_wait3A_298 : memref<1x!tpu.dma_semaphore, #tpu.memory_space<semaphore_mem>> -> memref<!tpu.dma_semaphore, #tpu.memory_space<semaphore_mem>>
        %dma_wait3A_300 = arith.constant 0 : i32
        %dma_wait3A_301 = tpu.memref_slice %arg2[%mul3A_297, %dma_wait3A_300] : memref<16384x16xf32, #tpu.memory_space<any>> -> memref<256x16xf32, #tpu.memory_space<any>>
        %dma_wait3A_302 = arith.constant 0 : i32
        %dma_wait3A_303 = arith.constant 0 : i32
        %dma_wait3A_304 = tpu.memref_slice %arg5[%rem3A_247, %dma_wait3A_302, %dma_wait3A_303] : memref<4x256x16xf32, #tpu.memory_space<vmem>> -> memref<1x256x16xf32, #tpu.memory_space<vmem>>
        %dma_wait3A_305 = tpu.memref_squeeze %dma_wait3A_304 : memref<1x256x16xf32, #tpu.memory_space<vmem>> -> memref<256x16xf32, #tpu.memory_space<vmem>>
        tpu.wait_dma2 semaphore(%dma_wait3A_299 : memref<!tpu.dma_semaphore, #tpu.memory_space<semaphore_mem>>) src(%dma_wait3A_305 : memref<256x16xf32, #tpu.memory_space<vmem>>) dst(%dma_wait3A_301 : memref<256x16xf32, #tpu.memory_space<any>>)
      } else {
      }
      %swap3A = arith.index_cast %rem3A_247 : i32 to index
      %swap3A_281 = arith.constant 0 : index
      %swap3A_282 = arith.constant 0 : index
      %swap3A_283 = vector.load %arg5[%swap3A, %swap3A_281, %swap3A_282] : memref<4x256x16xf32, #tpu.memory_space<vmem>>, vector<1x256x16xf32>
      %swap3A_284 = vector.shape_cast %swap3A_283 : vector<1x256x16xf32> to vector<256x16xf32>
      %swap3A_285 = vector.shape_cast %dot_general3A_273 : vector<256x16xf32> to vector<1x256x16xf32>
      tpu.vector_store %arg5[%swap3A, %swap3A_281, %swap3A_282], %swap3A_285 {strides = array<i32>} : memref<4x256x16xf32, #tpu.memory_space<vmem>>, vector<1x256x16xf32>,
      %mul3A = arith.constant 256 : i32
      %mul3A_286 = arith.muli %scan3A_243, %mul3A : i32
      %dma_start3A_287 = tpu.memref_slice %arg6[%rem3A_247] : memref<4x!tpu.dma_semaphore, #tpu.memory_space<semaphore_mem>> -> memref<1x!tpu.dma_semaphore, #tpu.memory_space<semaphore_mem>>
      %dma_start3A_288 = tpu.memref_squeeze %dma_start3A_287 : memref<1x!tpu.dma_semaphore, #tpu.memory_space<semaphore_mem>> -> memref<!tpu.dma_semaphore, #tpu.memory_space<semaphore_mem>>
      %dma_start3A_289 = arith.constant 0 : i32
      %dma_start3A_290 = tpu.memref_slice %arg2[%mul3A_286, %dma_start3A_289] : memref<16384x16xf32, #tpu.memory_space<any>> -> memref<256x16xf32, #tpu.memory_space<any>>
      %dma_start3A_291 = arith.constant 0 : i32
      %dma_start3A_292 = arith.constant 0 : i32
      %dma_start3A_293 = tpu.memref_slice %arg5[%rem3A_247, %dma_start3A_291, %dma_start3A_292] : memref<4x256x16xf32, #tpu.memory_space<vmem>> -> memref<1x256x16xf32, #tpu.memory_space<vmem>>
      %dma_start3A_294 = tpu.memref_squeeze %dma_start3A_293 : memref<1x256x16xf32, #tpu.memory_space<vmem>> -> memref<256x16xf32, #tpu.memory_space<vmem>>
      tpu.enqueue_dma source(%dma_start3A_294 : memref<256x16xf32, #tpu.memory_space<vmem>>) target(%dma_start3A_290 : memref<256x16xf32, #tpu.memory_space<any>>) target_semaphore(%dma_start3A_288 : memref<!tpu.dma_semaphore, #tpu.memory_space<semaphore_mem>>)
    }
    %scan3A_196 = arith.constant 64 : i32
    %rem3A = arith.constant 60 : i32
    %rem3A_197 = arith.constant 4 : i32
    %rem3A_198 = arith.remsi %rem3A, %rem3A_197 : i32
    %dma_wait3A = tpu.memref_slice %arg6[%rem3A_198] : memref<4x!tpu.dma_semaphore, #tpu.memory_space<semaphore_mem>> -> memref<1x!tpu.dma_semaphore, #tpu.memory_space<semaphore_mem>>
    %dma_wait3A_199 = tpu.memref_squeeze %dma_wait3A : memref<1x!tpu.dma_semaphore, #tpu.memory_space<semaphore_mem>> -> memref<!tpu.dma_semaphore, #tpu.memory_space<semaphore_mem>>
    %dma_wait3A_200 = arith.constant 15360 : i32
    %dma_wait3A_201 = arith.constant 0 : i32
    %dma_wait3A_202 = tpu.memref_slice %arg2[%dma_wait3A_200, %dma_wait3A_201] : memref<16384x16xf32, #tpu.memory_space<any>> -> memref<256x16xf32, #tpu.memory_space<any>>
    %dma_wait3A_203 = arith.constant 0 : i32
    %dma_wait3A_204 = arith.constant 0 : i32
    %dma_wait3A_205 = tpu.memref_slice %arg5[%rem3A_198, %dma_wait3A_203, %dma_wait3A_204] : memref<4x256x16xf32, #tpu.memory_space<vmem>> -> memref<1x256x16xf32, #tpu.memory_space<vmem>>
    %dma_wait3A_206 = tpu.memref_squeeze %dma_wait3A_205 : memref<1x256x16xf32, #tpu.memory_space<vmem>> -> memref<256x16xf32, #tpu.memory_space<vmem>>
    tpu.wait_dma2 semaphore(%dma_wait3A_199 : memref<!tpu.dma_semaphore, #tpu.memory_space<semaphore_mem>>) src(%dma_wait3A_206 : memref<256x16xf32, #tpu.memory_space<vmem>>) dst(%dma_wait3A_202 : memref<256x16xf32, #tpu.memory_space<any>>)
    %rem3A_207 = arith.constant 61 : i32
    %rem3A_208 = arith.constant 4 : i32
    %rem3A_209 = arith.remsi %rem3A_207, %rem3A_208 : i32
    %dma_wait3A_210 = tpu.memref_slice %arg6[%rem3A_209] : memref<4x!tpu.dma_semaphore, #tpu.memory_space<semaphore_mem>> -> memref<1x!tpu.dma_semaphore, #tpu.memory_space<semaphore_mem>>
    %dma_wait3A_211 = tpu.memref_squeeze %dma_wait3A_210 : memref<1x!tpu.dma_semaphore, #tpu.memory_space<semaphore_mem>> -> memref<!tpu.dma_semaphore, #tpu.memory_space<semaphore_mem>>
    %dma_wait3A_212 = arith.constant 15616 : i32
    %dma_wait3A_213 = arith.constant 0 : i32
    %dma_wait3A_214 = tpu.memref_slice %arg2[%dma_wait3A_212, %dma_wait3A_213] : memref<16384x16xf32, #tpu.memory_space<any>> -> memref<256x16xf32, #tpu.memory_space<any>>
    %dma_wait3A_215 = arith.constant 0 : i32
    %dma_wait3A_216 = arith.constant 0 : i32
    %dma_wait3A_217 = tpu.memref_slice %arg5[%rem3A_209, %dma_wait3A_215, %dma_wait3A_216] : memref<4x256x16xf32, #tpu.memory_space<vmem>> -> memref<1x256x16xf32, #tpu.memory_space<vmem>>
    %dma_wait3A_218 = tpu.memref_squeeze %dma_wait3A_217 : memref<1x256x16xf32, #tpu.memory_space<vmem>> -> memref<256x16xf32, #tpu.memory_space<vmem>>
    tpu.wait_dma2 semaphore(%dma_wait3A_211 : memref<!tpu.dma_semaphore, #tpu.memory_space<semaphore_mem>>) src(%dma_wait3A_218 : memref<256x16xf32, #tpu.memory_space<vmem>>) dst(%dma_wait3A_214 : memref<256x16xf32, #tpu.memory_space<any>>)
    %rem3A_219 = arith.constant 62 : i32
    %rem3A_220 = arith.constant 4 : i32
    %rem3A_221 = arith.remsi %rem3A_219, %rem3A_220 : i32
    %dma_wait3A_222 = tpu.memref_slice %arg6[%rem3A_221] : memref<4x!tpu.dma_semaphore, #tpu.memory_space<semaphore_mem>> -> memref<1x!tpu.dma_semaphore, #tpu.memory_space<semaphore_mem>>
    %dma_wait3A_223 = tpu.memref_squeeze %dma_wait3A_222 : memref<1x!tpu.dma_semaphore, #tpu.memory_space<semaphore_mem>> -> memref<!tpu.dma_semaphore, #tpu.memory_space<semaphore_mem>>
    %dma_wait3A_224 = arith.constant 15872 : i32
    %dma_wait3A_225 = arith.constant 0 : i32
    %dma_wait3A_226 = tpu.memref_slice %arg2[%dma_wait3A_224, %dma_wait3A_225] : memref<16384x16xf32, #tpu.memory_space<any>> -> memref<256x16xf32, #tpu.memory_space<any>>
    %dma_wait3A_227 = arith.constant 0 : i32
    %dma_wait3A_228 = arith.constant 0 : i32
    %dma_wait3A_229 = tpu.memref_slice %arg5[%rem3A_221, %dma_wait3A_227, %dma_wait3A_228] : memref<4x256x16xf32, #tpu.memory_space<vmem>> -> memref<1x256x16xf32, #tpu.memory_space<vmem>>
    %dma_wait3A_230 = tpu.memref_squeeze %dma_wait3A_229 : memref<1x256x16xf32, #tpu.memory_space<vmem>> -> memref<256x16xf32, #tpu.memory_space<vmem>>
    tpu.wait_dma2 semaphore(%dma_wait3A_223 : memref<!tpu.dma_semaphore, #tpu.memory_space<semaphore_mem>>) src(%dma_wait3A_230 : memref<256x16xf32, #tpu.memory_space<vmem>>) dst(%dma_wait3A_226 : memref<256x16xf32, #tpu.memory_space<any>>)
    %rem3A_231 = arith.constant 63 : i32
    %rem3A_232 = arith.constant 4 : i32
    %rem3A_233 = arith.remsi %rem3A_231, %rem3A_232 : i32
    %dma_wait3A_234 = tpu.memref_slice %arg6[%rem3A_233] : memref<4x!tpu.dma_semaphore, #tpu.memory_space<semaphore_mem>> -> memref<1x!tpu.dma_semaphore, #tpu.memory_space<semaphore_mem>>
    %dma_wait3A_235 = tpu.memref_squeeze %dma_wait3A_234 : memref<1x!tpu.dma_semaphore, #tpu.memory_space<semaphore_mem>> -> memref<!tpu.dma_semaphore, #tpu.memory_space<semaphore_mem>>
    %dma_wait3A_236 = arith.constant 16128 : i32
    %dma_wait3A_237 = arith.constant 0 : i32
    %dma_wait3A_238 = tpu.memref_slice %arg2[%dma_wait3A_236, %dma_wait3A_237] : memref<16384x16xf32, #tpu.memory_space<any>> -> memref<256x16xf32, #tpu.memory_space<any>>
    %dma_wait3A_239 = arith.constant 0 : i32
    %dma_wait3A_240 = arith.constant 0 : i32
    %dma_wait3A_241 = tpu.memref_slice %arg5[%rem3A_233, %dma_wait3A_239, %dma_wait3A_240] : memref<4x256x16xf32, #tpu.memory_space<vmem>> -> memref<1x256x16xf32, #tpu.memory_space<vmem>>
    %dma_wait3A_242 = tpu.memref_squeeze %dma_wait3A_241 : memref<1x256x16xf32, #tpu.memory_space<vmem>> -> memref<256x16xf32, #tpu.memory_space<vmem>>
    tpu.wait_dma2 semaphore(%dma_wait3A_235 : memref<!tpu.dma_semaphore, #tpu.memory_space<semaphore_mem>>) src(%dma_wait3A_242 : memref<256x16xf32, #tpu.memory_space<vmem>>) dst(%dma_wait3A_238 : memref<256x16xf32, #tpu.memory_space<any>>)
    return
  }
}

</mosaic_0001>

<sc_bundles>
// kernel: kernel.4.cloned.1.call-start
scs
__scs_entry_jumppad:
0x0: {  	(pc) =	sbr.rel $0x88, $3  }
0x1: {  	(tag) =	ssettag $0x0;
	lr =	simm.s32 $0x1  }
0x2: {  	[smem:$0x3F9F] =	sst lr;
	_ =	strace $0xD0000000  }
0x3: {  	_ = 	snop  }
0x4: {  	_ = 	snop  }
0x5: {  	_ = 	snop  }
0x6: {  	_ = 	snop  }
0x7: {  	_ = 	snop  }
__scs_overlays_trampoline_lowered:
0x8: {  	[smem:$0x3FAE] =	sst s0  }
0x9: {  	[smem:$0x3FAF] =	sst s1  }
0xa: {  	[smem:$0x3FB0] =	sst s2  }
0xb: {  	[smem:$0x3FB1] =	sst s3  }
0xc: {  	[smem:$0x3FB2] =	sst s4  }
0xd: {  	[smem:$0x3FB3] =	sst s5  }
0xe: {  	[smem:$0x3FB4] =	sst s6  }
0xf: {  	[smem:$0x3FB5] =	sst s7  }
0x10: {  	[smem:$0x3FB6] =	sst s8  }
0x11: {  	[smem:$0x3FB7] =	sst s9;
	s0 =	simm.s32 @!p0 $0x0  }
0x12: {  	s1 =	sld [smem:$0x3F9D];
	s0 =	simm.s32 @p0 $0x1  }
0x13: {  	[smem:$0x3FB8] =	sst s0;
	s0 =	simm.s32 @!p1 $0x0  }
0x14: {  	s2 =	sld [smem:$0x3F9C];
	s0 =	simm.s32 @p1 $0x1  }
0x15: {  	[smem:$0x3FB9] =	sst s0;
	s0 =	simm.s32 @!p2 $0x0  }
0x16: {  	s3 =	sld [smem:$0x3FDB];
	s0 =	simm.s32 @p2 $0x1  }
0x17: {  	s4 =	simm.s32 $0x1BF5;
	[smem:$0x3FBB] =	sst s0  }
0x18: {  	s0 =	sld [smem:$0x3F9E];
	_ =	swait.ge [sflag:s4], $0x0  }
0x19: {  	s7 =	sld [smem:$0x3F9F]  }
0x1a: {  	s8 =	sadd.s32 $0xFFFFE003, lr  }
0x1b: {  	s9 =	sadd.s32 $0xFFFFFEF7, lr;
	s5 =	simm.s32 $0xFFFFFFFF;
	p2 =	slt.u32 s8, $0xFFFFF086  }
0x1c: {  	p1 =	slt.u32 s9, $0xF7A;
	s5 =	simm.s32 @!p2 $0x0  }
0x1d: {  	s5 =	simm.s32 @p1 $0x1;
	p0 =	seq.s32 s7, s2  }
0x1e: {  	s7 =	smul.u32 @!p0 $0xF7A, s2;
	p2 =	seq.s32 @!p0 s5, $0x0  }
0x1f: {  	s9 =	smul.u32 $0xF7A, s1;
	s8 =	simm.s32 @!p0 $0x1BF5;
	p2 =	por !p2, p0  }
0x20: {  	[sflag:s8] =	ssyncset.s32 @!p0 $0xFFFFF086;
	s6 =	sadd.s32 @!p0 s3, s7;
	s7 =	simm.s32 @!p0 $0x108  }
0x21: {  	s3 =	sadd.s32 s3, s9;
	s6 =	sadd.s32 @!p0 $0x88, s6;
	s7 =	simm.s32 @p2 $0x1082  }
0x22: {  	[simem:s7], [sflag:s8] =	dma.local @!p0 [hbm:s6], $0xF7A  }
0x23: {  	s9 =	sor.u32 $0xD0000000, s2;
	s6 =	simm.s32 $0x108;
	_ =	swait.ge @!p0 [sflag:s8], $0x0  }
0x24: {  	s3 =	sadd.s32 $0x88, s3;
	s6 =	simm.s32 @!p1 $0x1082;
	[sflag:s4] =	ssyncset.s32 $0xFFFFF086  }
0x25: {  	[simem:s6], [sflag:s4] =	dma.local [hbm:s3], $0xF7A  }
0x26: {  	[smem:$0x3F9F] =	sst s1;
	(tag) =	ssettag s2;
	_ =	strace s9  }
0x27: {  	s1 =	sld [smem:$0x3FAF]  }
0x28: {  	s2 =	sld [smem:$0x3FB0]  }
0x29: {  	s4 =	sld [smem:$0x3FB2]  }
0x2a: {  	p0 =	seq.s32 s5, $0x0;
	s5 =	sld [smem:$0x3FB3]  }
0x2b: {  	s6 =	sld [smem:$0x3FB4]  }
0x2c: {  	s7 =	sld [smem:$0x3FB5]  }
0x2d: {  	s3 =	simm.s32 $0x108;
	s8 =	sld [smem:$0x3FB6]  }
0x2e: {  	s3 =	simm.s32 @!p0 $0x1082;
	s9 =	sld [smem:$0x3FB7]  }
0x2f: {  	lr =	sadd.s32 s0, s3;
	s0 =	sld [smem:$0x3FAE]  }
0x30: {  	s3 =	sld [smem:$0x3FB1]  }
0x31: {  	[smem:$0x3FBA] =	sst s10  }
0x32: {  	s10 =	sld [smem:$0x3FB8];
	_ =	sdelay $0x3  }
0x33: {  	p0 =	seq.s32 s10, $0x1;
	s10 =	sld [smem:$0x3FBA];
	_ =	sdelay $0x3  }
0x34: {  	[smem:$0x3FBA] =	sst s10  }
0x35: {  	s10 =	sld [smem:$0x3FB9];
	_ =	sdelay $0x3  }
0x36: {  	p1 =	seq.s32 s10, $0x1;
	s10 =	sld [smem:$0x3FBA];
	_ =	sdelay $0x3  }
0x37: {  	[smem:$0x3FBA] =	sst s10  }
0x38: {  	s10 =	sld [smem:$0x3FBB]  }
0x39: {  	_ = 	snop;
	(pc) =	sbr.ind lr, $3  }
0x3a: {  	_ = 	snop  }
0x3b: {  	_ = 	snop  }
0x3c: {  	p2 =	seq.s32 s10, $0x1;
	s10 =	sld [smem:$0x3FBA]  }
0x3d: {  	_ =	shalt  }
0x3e: {  	_ =	shalt  }
0x3f: {  	_ =	shalt  }
0x40: {  	_ =	shalt  }
0x41: {  	_ =	shalt  }
0x42: {  	_ =	shalt  }
0x43: {  	_ =	shalt  }
0x44: {  	_ =	shalt  }
0x45: {  	_ =	shalt  }
0x46: {  	_ =	shalt  }
0x47: {  	_ =	shalt  }
0x48: {  	_ =	shalt  }
0x49: {  	_ =	shalt  }
0x4a: {  	_ =	shalt  }
0x4b: {  	_ =	shalt  }
0x4c: {  	_ =	shalt  }
0x4d: {  	_ =	shalt  }
0x4e: {  	_ =	shalt  }
0x4f: {  	_ =	shalt  }
0x50: {  	_ =	shalt  }
0x51: {  	_ =	shalt  }
0x52: {  	_ =	shalt  }
0x53: {  	_ =	shalt  }
0x54: {  	_ =	shalt  }
0x55: {  	_ =	shalt  }
0x56: {  	_ =	shalt  }
0x57: {  	_ =	shalt  }
0x58: {  	_ =	shalt  }
0x59: {  	_ =	shalt  }
0x5a: {  	_ =	shalt  }
0x5b: {  	_ =	shalt  }
0x5c: {  	_ =	shalt  }
0x5d: {  	_ =	shalt  }
0x5e: {  	_ =	shalt  }
0x5f: {  	_ =	shalt  }
0x60: {  	_ =	shalt  }
0x61: {  	_ =	shalt  }
0x62: {  	_ =	shalt  }
0x63: {  	_ =	shalt  }
0x64: {  	_ =	shalt  }
0x65: {  	_ =	shalt  }
0x66: {  	_ =	shalt  }
0x67: {  	_ =	shalt  }
0x68: {  	_ =	shalt  }
0x69: {  	_ =	shalt  }
0x6a: {  	_ =	shalt  }
0x6b: {  	_ =	shalt  }
0x6c: {  	_ =	shalt  }
0x6d: {  	_ =	shalt  }
0x6e: {  	_ =	shalt  }
0x6f: {  	_ =	shalt  }
0x70: {  	_ =	shalt  }
0x71: {  	_ =	shalt  }
0x72: {  	_ =	shalt  }
0x73: {  	_ =	shalt  }
0x74: {  	_ =	shalt  }
0x75: {  	_ =	shalt  }
0x76: {  	_ =	shalt  }
0x77: {  	_ =	shalt  }
0x78: {  	_ =	shalt  }
0x79: {  	_ =	shalt  }
0x7a: {  	_ =	shalt  }
0x7b: {  	_ =	shalt  }
0x7c: {  	_ =	shalt  }
0x7d: {  	_ =	shalt  }
0x7e: {  	_ =	shalt  }
0x7f: {  	_ =	shalt  }
0x80: {  	_ =	shalt  }
0x81: {  	_ =	shalt  }
0x82: {  	_ =	shalt  }
0x83: {  	_ =	shalt  }
0x84: {  	_ =	shalt  }
0x85: {  	_ =	shalt  }
0x86: {  	_ =	shalt  }
0x87: {  	_ =	shalt  }
.Lfunc_end0:
.L_simem_size_0:
called_computation_lowered:
.L_overlay_start_0:
0x88: {  	s2 =	sld [smem:$0x3FD9]  }
0x89: {  	s3 =	sld [smem:$0x3FFE];
	_ =	sdelay $0x1  }
0x8a: {  	s1 =	srdreg.scid  }
0x8b: {  	s0 =	sand.u32 $0x1, s1  }
0x8c: {  	s14 =	sshll.u32 s0, $0xA;
	s2 =	sadd.s32 s3, s2  }
0x8d: {  	s2 =	sadd.s32 s2, s14  }
0x8e: {  	[smem:$0x3FC6] =	sst s2  }
0x8f: {  	_ = 	snop  }
0x90: {  	s2 =	sld [smem:$0x3FD0];
	_ =	sdelay $0x2  }
0x91: {  	s15 =	simm.s32 $0xA;
	s4 =	simm.s32 $0x10  }
0x92: {  	[smem:s4], [sflag:s15] =	dma.local [hbm:s2], $0x1  }
0x93: {  	_ =	swait.eq [sflag:s15], $0x1  }
0x94: {  	[sflag:s15] =	ssyncset.done $0x0  }
0x95: {  	s16 =	sld [smem:$0x11];
	[sflag:s15] =	ssyncadd.s32 $0xFFFFFFFF  }
0x96: {  	s17 =	sld [smem:$0x13];
	(tm) =	ssettm $0x1  }
0x97: {  	s18 =	sld [smem:$0x3FFB];
	_ =	sdelay $0x3  }
0x98: {  	_ =	strace s18  }
0x99: {  	s4 =	sld [smem:$0x3FFC];
	_ =	sdelay $0x3  }
0x9a: {  	_ =	strace s4  }
0x9b: {  	s4 =	sld [smem:$0x3FFD];
	_ =	sdelay $0x3  }
0x9c: {  	_ =	strace s4  }
0x9d: {  	_ =	strace $0x8FFFFFFF  }
0x9e: {  	s19 =	sld [smem:$0x3FDB];
	_ =	sdelay $0x1  }
0x9f: {  	s5 =	simm.s32 $_scs_section_size  }
0xa0: {  	s6 =	simm.s32 $_size__tile_overlayer_lowered;
	s7 =	simm.s32 $_tile_overlayer_lowered  }
0xa1: {  	s22 =	simm.s32 $0x1BFF;
	s21 =	sshll.u32 s7, $0x1;
	s4 =	sadd.s32 s5, s19  }
0xa2: {  	s8 =	simm.s32 $0x0;
	s20 =	sshll.u32 s6, $0x1;
	s6 =	sadd.s32 s21, s4  }
0xa3: {  	[timem:s8], [sflag:s22] =	dma.local [hbm:s6], s20  }
0xa4: {  	_ =	swait.ge [sflag:s22], s20  }
0xa5: {  	s5 =	ssub.s32 $0x0, s20;
	[sflag:s22] =	ssyncset.done $0x0  }
0xa6: {  	[sflag:s22] =	ssyncadd.s32 s5;
	_ =	sdelay $0x1  }
0xa7: {  	s23 =	simm.s32 $0x1B8B  }
0xa8: {  	_ =	swait.ge [sflag:s23], $0x1  }
0xa9: {  	[sflag:s23] =	ssyncset.done $0x0  }
0xaa: {  	s25 =	simm.s32 $0x1B8E;
	s24 =	sld [smem:$0x3FFE];
	[sflag:s23] =	ssyncadd.s32 $0xFFFFFFFF  }
0xab: {  	s26 =	simm.s32 $execute0_lowered;
	[smem:$0x3FD2] =	sst s25  }
0xac: {  	s6 =	sshll.u32 s26, $0x1;
	_ =	strace $0x80000046;
	[dreg:$0x1] =	wrdreg $0xFFFFFFFF  }
0xad: {  	s28 =	simm.s32 $_size_execute0_lowered;
	s4 =	sadd.s32 s4, s6;
	[dreg:$0x0] =	wrdreg $0x0  }
0xae: {  	s6 =	sshll.u32 s28, $0x1;
	[dreg:$0x2] =	wrdreg s4  }
0xaf: {  	[dreg:$0x3] =	wrdreg s6  }
0xb0: {  	[dreg:$0x4] =	wrdreg $0xC0  }
0xb1: {  	_ =	task [dreg:s8], $0x5FFFF  }
0xb2: {  	[dreg:$0x1] =	wrdreg $0xFFFFFFFF  }
0xb3: {  	[dreg:$0x0] =	wrdreg $0x60  }
0xb4: {  	[dreg:$0x2] =	wrdreg s17  }
0xb5: {  	[dreg:$0x3] =	wrdreg s24  }
0xb6: {  	[dreg:$0x4] =	wrdreg s16  }
0xb7: {  	[dreg:$0x5] =	wrdreg $0x9  }
0xb8: {  	_ =	task.clear_ibuf [dreg:s8], $0x6FFFF;
	_ =	strace $0x90000046  }
0xb9: {  	s29 =	simm.s32 $0x9;
	_ =	strace $0x80000048  }
0xba: {  	_ =	swait.ge [sflag:s29], $0x1  }
0xbb: {  	[sflag:s29] =	ssyncadd.s32 $0xFFFFFFFF  }
0xbc: {  	_ =	strace $0x90000048  }
0xbd: {  	_ =	sfence  }
0xbe: {  	s30 =	sld [smem:$0x0];
	_ =	sdelay $0x2  }
0xbf: {  	s31 =	sshll.u32 s1, $0xD;
	s1 =	sshrl.u32 s1, $0x2  }
0xc0: {  	s3 =	sand.u32 $0x4000, s31;
	s1 =	sadd.s32 s1, s30  }
0xc1: {  	s0 =	sor.u32 s3, s0;
	s1 =	sshll.u32 s1, $0x11  }
0xc2: {  	s0 =	sor.u32 s1, s0  }
0xc3: {  	s0 =	sadd.s32 $0x8F2B, s0  }
0xc4: {  	[sflag:s0] =	ssyncadd.remote.s32 $0x1  }
0xc5: {  	_ =	sfence.sel $0xFFFF  }
0xc6: {  	[dreg:$0x0] =	wrdreg $0xFFFFFFFF;
	(pc) =	sbr.abs _section_cstart, $3  }
0xc7: {  	[dreg:$0x1] =	wrdreg $0xFFFFFFFF  }
0xc8: {  	_ =	task.clear_ibuf [dreg:s8], $0x2FFFF;
	_ =	strace $0x9FFFFFFF  }
0xc9: {  	(tm) =	ssettm $0x7FFFFFFF  }
tec
execute0_lowered:
.L_overlay_start_1:
0x0: {  	(tag) =	ssettag $0x1  }
0x1: {  	s3 =	rddreg [dreg:$0x0]  }
0x2: {  	s4 =	rddreg [dreg:$0x1]  }
0x3: {  	v13 =	vlaneseq.u32;
	s5 =	rddreg [dreg:$0x2]  }
0x4: {  	s1 =	srdreg.scid;
	s0 =	rddreg [dreg:$0x3];
	v0 =	vand.u32 $0x7, v13  }
0x5: {  	s2 =	simm.s32 $0x0;
	s12 =	simm.s32 $0x0;
	s6 =	sand.u32 $0x1, s1;
	v1 =	vmul.u32 $0x10, v0;
	v0 =	vmul.u32 $0x10, v13  }
0x6: {  	v18 =	vimm.s32 $0x0;
	s1 =	stileid.u32;
	[smem:$0x7FF] =	sst s2;
	s7 =	sshll.u32 s6, $0x4  }
0x7: {  	_ =	strace $0x80000047;
	s6 =	ssub.s32 $0x2, s6;
	v13 =	vmul.u32 $0x2, v13;
	s7 =	sor.u32 s1, s7;
	v1 =	vor.u32 $0xFFFFFF80, v1;
	v2 =	vor.u32 $0x1, v0  }
0x8: {  	s10 =	sshrl.u32 s6, $0x1;
	s8 =	sshll.u32 s7, $0xA;
	v3 =	vor.u32 $0x2, v0;
	v4 =	vor.u32 $0x3, v0;
	s7 =	sshll.u32 s7, $0x7;
	v5 =	vor.u32 $0x4, v0  }
0x9: {  	v6 =	vor.u32 $0x5, v0;
	v7 =	vor.u32 $0x6, v0;
	s10 =	ssub.s32 s6, s10;
	v8 =	vor.u32 $0x7, v0;
	s9 =	sadd.s32 s8, s4;
	s11 =	sadd.s32 s7, s4  }
0xa: {  	v9 =	vor.u32 $0x8, v0;
	v10 =	vor.u32 $0x9, v0;
	v11 =	vor.u32 $0xA, v0;
	s3 =	sadd.s32 s3, s8;
	s5 =	sadd.s32 s5, s7;
	s7 =	smax.u32 s10, $0x1  }
0xb: {  	v12 =	vor.u32 $0xB, v0;
	v14 =	vor.u32 $0xC, v0;
	v15 =	vor.u32 $0xD, v0;
	s8 =	simm.s32 $0x1;
	s10 =	simm.s32 $0x4000;
	s4 =	sadd.s32 $0x1C00, s9  }
0xc: {  	v16 =	vor.u32 $0xE, v0;
	v17 =	vor.u32 $0xF, v0;
	v19 =	vor.u32 $0x1, v13;
	s6 =	sadd.s32 $0xC00, s11;
	s9 =	simm.s32 $0x2000;
	s11 =	simm.s32 $0x4400  }
.LBB2_1:
0xd: {  	v20 =	vor.u32 s2, v0;
	v37 =	vor.u32 s2, v2  }
0xe: {  	[tilespmem:s2], [sflag:$0x1] =	stream.linear.gather [hbm4b:s3+s2], $0x2000, $0x38;
	v38 =	vand.u32 v1, v20;
	[tilespmem:$0x4800] =	vst v63  }
0xf: {  	_ =	swait.ge [sflag:s8], $0x2000;
	v20 =	vor.u32 s2, v3  }
0x10: {  	v36 =	vor.u32 s2, v4;
	[sflag:s8] =	ssyncset.done $0x0  }
0x11: {  	v32 =	vor.u32 s2, v5;
	[sflag:s8] =	ssyncadd.s32 $0xFFFFE000  }
0x12: {  	v31 =	vor.u32 s2, v6;
	v34 =	vld.idx.msk [tilespmem:v37+s2+$0x0], $0xffff  }
0x13: {  	v30 =	vor.u32 s2, v7;
	v33 =	vld.idx.msk [tilespmem:v38+s2+$0x0], $0xffff  }
0x14: {  	v29 =	vor.u32 s2, v8;
	v35 =	vld.idx.msk [tilespmem:v20+s2+$0x0], $0xffff  }
0x15: {  	v28 =	vor.u32 s2, v9;
	v39 =	vld.idx.msk [tilespmem:v36+s2+$0x0], $0xffff  }
0x16: {  	v27 =	vor.u32 s2, v10;
	v40 =	vld.idx.msk [tilespmem:v32+s2+$0x0], $0xffff  }
0x17: {  	v26 =	vor.u32 s2, v11;
	v41 =	vld.idx.msk [tilespmem:v31+s2+$0x0], $0xffff  }
0x18: {  	v25 =	vor.u32 s2, v12;
	v42 =	vld.idx.msk [tilespmem:v30+s2+$0x0], $0xffff;
	v21 =	vmax.f32 v33, v34  }
0x19: {  	v24 =	vor.u32 s2, v14;
	v43 =	vld.idx.msk [tilespmem:v29+s2+$0x0], $0xffff;
	v21 =	vmax.f32 v21, v35  }
0x1a: {  	v23 =	vor.u32 s2, v15;
	v44 =	vld.idx.msk [tilespmem:v28+s2+$0x0], $0xffff;
	v21 =	vmax.f32 v21, v39  }
0x1b: {  	v22 =	vor.u32 s2, v16;
	v45 =	vld.idx.msk [tilespmem:v27+s2+$0x0], $0xffff;
	v46 =	vmax.f32 v21, v40  }
0x1c: {  	v47 =	vld.idx.msk [tilespmem:v26+s2+$0x0], $0xffff;
	v21 =	vor.u32 s2, v17;
	v46 =	vmax.f32 v46, v41  }
0x1d: {  	v48 =	vld.idx.msk [tilespmem:v25+s2+$0x0], $0xffff;
	v46 =	vmax.f32 v46, v42  }
0x1e: {  	v49 =	vld.idx.msk [tilespmem:v24+s2+$0x0], $0xffff;
	v46 =	vmax.f32 v46, v43  }
0x1f: {  	v50 =	vld.idx.msk [tilespmem:v23+s2+$0x0], $0xffff;
	v46 =	vmax.f32 v46, v44  }
0x20: {  	v51 =	vld.idx.msk [tilespmem:v22+s2+$0x0], $0xffff;
	v46 =	vmax.f32 v46, v45  }
0x21: {  	v52 =	vld.idx.msk [tilespmem:v21+s2+$0x0], $0xffff;
	v46 =	vmax.f32 v46, v47  }
0x22: {  	v46 =	vmax.f32 v46, v48  }
0x23: {  	v46 =	vmax.f32 v46, v49  }
0x24: {  	v46 =	vmax.f32 v46, v50  }
0x25: {  	v46 =	vmax.f32 v46, v51  }
0x26: {  	v46 =	vmax.f32 v46, v52  }
0x27: {  	v33 =	vsub.f32 v33, v46  }
0x28: {  	v34 =	vsub.f32 v34, v46  }
0x29: {  	v33 =	vmul.f32 $1.442695020e+00, v33  }
0x2a: {  	v35 =	vsub.f32 v35, v46;
	v34 =	vmul.f32 $1.442695020e+00, v34  }
0x2b: {  	(erf) = vpow2.f32 v33  }
0x2c: {  	v62 =	vsub.f32 v39, v46;
	v35 =	vmul.f32 $1.442695020e+00, v35;
	(erf) = vpow2.f32 v34;
	_ =	sdelay $0x1  }
0x2d: {  	v63 =	vsub.f32 v40, v46;
	v33 =	vmul.f32 $1.442695020e+00, v62;
	(erf) = vpow2.f32 v35;
	_ =	sdelay $0x1  }
0x2e: {  	v39 =	vsub.f32 v41, v46;
	v34 =	vmul.f32 $1.442695020e+00, v63;
	(erf) = vpow2.f32 v33;
	_ =	sdelay $0x1  }
0x2f: {  	v40 =	vsub.f32 v42, v46;
	v35 =	vmul.f32 $1.442695020e+00, v39;
	(erf) = vpow2.f32 v34;
	_ =	sdelay $0x1  }
0x30: {  	v41 =	vsub.f32 v43, v46;
	v33 =	vmul.f32 $1.442695020e+00, v40;
	(erf) = vpow2.f32 v35;
	v53 =	vpop (erf)  }
0x31: {  	v42 =	vsub.f32 v44, v46;
	v54 =	vpop (erf)  }
0x32: {  	v34 =	vmul.f32 $1.442695020e+00, v41;
	(erf) = vpow2.f32 v33;
	v43 =	vadd.f32 v54, v53  }
0x33: {  	v44 =	vsub.f32 v45, v46;
	v55 =	vpop (erf)  }
0x34: {  	v35 =	vmul.f32 $1.442695020e+00, v42;
	(erf) = vpow2.f32 v34;
	v33 =	vadd.f32 v43, v55  }
0x35: {  	v45 =	vsub.f32 v47, v46;
	v56 =	vpop (erf)  }
0x36: {  	v39 =	vmul.f32 $1.442695020e+00, v44;
	(erf) = vpow2.f32 v35;
	v33 =	vadd.f32 v33, v56  }
0x37: {  	v43 =	vpop (erf)  }
0x38: {  	v34 =	vmul.f32 $1.442695020e+00, v45;
	(erf) = vpow2.f32 v39;
	v33 =	vadd.f32 v33, v43  }
0x39: {  	v47 =	vsub.f32 v48, v46;
	v42 =	vpop (erf)  }
0x3a: {  	(erf) = vpow2.f32 v34;
	v33 =	vadd.f32 v33, v42  }
0x3b: {  	v48 =	vsub.f32 v49, v46;
	v35 =	vmul.f32 $1.442695020e+00, v47;
	v40 =	vpop (erf)  }
0x3c: {  	v33 =	vadd.f32 v33, v40  }
0x3d: {  	v49 =	vsub.f32 v50, v46;
	v50 =	vmul.f32 $1.442695020e+00, v48;
	(erf) = vpow2.f32 v35;
	v39 =	vpop (erf)  }
0x3e: {  	v33 =	vadd.f32 v33, v39  }
0x3f: {  	v51 =	vsub.f32 v51, v46;
	v34 =	vmul.f32 $1.442695020e+00, v49;
	(erf) = vpow2.f32 v50;
	v41 =	vpop (erf)  }
0x40: {  	v33 =	vadd.f32 v33, v41  }
0x41: {  	v52 =	vsub.f32 v52, v46;
	v35 =	vmul.f32 $1.442695020e+00, v51;
	(erf) = vpow2.f32 v34;
	v44 =	vpop (erf)  }
0x42: {  	v33 =	vadd.f32 v33, v44  }
0x43: {  	v57 =	vmul.f32 $1.442695020e+00, v52;
	(erf) = vpow2.f32 v35;
	v45 =	vpop (erf)  }
0x44: {  	v33 =	vadd.f32 v33, v45  }
0x45: {  	(erf) = vpow2.f32 v57  }
0x46: {  	v35 =	vpop (erf)  }
0x47: {  	v58 =	vadd.f32 v33, v35  }
0x48: {  	v33 =	vpop (erf)  }
0x49: {  	v34 =	vadd.f32 v58, v33  }
0x4a: {  	v47 =	vpop (erf)  }
0x4b: {  	v34 =	vadd.f32 v34, v47  }
0x4c: {  	v46 =	vpop (erf)  }
0x4d: {  	v34 =	vadd.f32 v34, v46  }
0x4e: {  	v48 =	vpop (erf)  }
0x4f: {  	v34 =	vadd.f32 v34, v48;
	_ =	sdelay $0x1  }
0x50: {  	(erf) = vrcp.f32 v34;
	_ =	sdelay $0x8  }
0x51: {  	v34 =	vpop (erf)  }
0x52: {  	v59 =	vmul.f32 v34, v53;
	v60 =	vmul.f32 v34, v54;
	_ =	sdelay $0x1  }
0x53: {  	v61 =	vmul.f32 v34, v55;
	[tilespmem:v38+s9+$0x0] =	vst.idx.msk $0xffff, v59;
	vm1 =	vgt.f32 v60, v59;
	vm3 =	vgt.f32 v60, $-1.000000000e+00  }
0x54: {  	s14 =	simm.s32 $0x100;
	v49 =	vmul.f32 v34, v56;
	[tilespmem:v37+s9+$0x0] =	vst.idx.msk $0xffff, v60;
	vm4 =	vmneg vm1;
	v62 =	vnsel vm3, $0xBF800000, v60  }
0x55: {  	v63 =	vor.u32 s14, v0;
	[tilespmem:v20+s9+$0x0] =	vst.idx.msk $0xffff, v61;
	v53 =	vsel vm4, v62, v59;
	v37 =	vsel vm4, v59, v60  }
0x56: {  	v20 =	vand.u32 v1, v63;
	vm0 =	vgt.f32 v61, v37;
	vm2 =	vgt.f32 v61, v53  }
0x57: {  	s16 =	simm.s32 $0x200;
	s13 =	simm.s32 $0x0;
	s15 =	simm.s32 $0x0;
	vm3 =	vmand vm4, vm3;
	[tilespmem:v36+s9+$0x0] =	vst.idx.msk $0xffff, v49;
	v36 =	vsel vm2, v61, v53;
	v38 =	vsel vm0, v61, v37  }
.LBB2_2:
0x58: {  	p0 =	sne.s32 s16, $0x1F00  }
0x59: {  	v37 =	vsel vm0, v37, v36;
	s13 =	sadd.s32 $0x20, s13;
	s17 =	smov.u32 s16;
	s16 =	sadd.s32 $0x100, s16  }
0x5a: {  	v36 =	vmul.f32 v34, v48;
	vm4 =	vgt.f32 v49, v38;
	vm10 =	vgt.f32 v49, v37  }
0x5b: {  	v43 =	vmul.f32 v34, v43;
	v48 =	vsel vm10, v49, v37;
	v49 =	vsel vm4, v49, v38  }
0x5c: {  	v47 =	vmul.f32 v34, v47;
	v37 =	vmul.f32 v34, v46;
	v38 =	vsel vm4, v38, v48  }
0x5d: {  	v42 =	vmul.f32 v34, v42;
	vm5 =	vgt.f32 v43, v49;
	vm7 =	vgt.f32 v43, v38  }
0x5e: {  	v45 =	vmul.f32 v34, v45;
	[tilespmem:v32+s9+$0x0] =	vst.idx.msk $0xffff, v43;
	v32 =	vsel vm7, v43, v38  }
0x5f: {  	v38 =	vmul.f32 v34, v44;
	v43 =	vsel vm5, v43, v49;
	v32 =	vsel vm5, v49, v32  }
0x60: {  	v40 =	vmul.f32 v34, v40;
	vm6 =	vgt.f32 v42, v43;
	vm8 =	vgt.f32 v42, v32  }
0x61: {  	v41 =	vmul.f32 v34, v41;
	[tilespmem:v31+s9+$0x0] =	vst.idx.msk $0xffff, v42;
	v31 =	vsel vm1, $0x1, v18;
	v32 =	vsel vm8, v42, v32  }
0x62: {  	v42 =	vsel vm6, v42, v43;
	[tilespmem:v30+s9+$0x0] =	vst.idx.msk $0xffff, v40;
	v30 =	vsel vm0, $0x2, v31;
	v32 =	vsel vm6, v43, v32  }
0x63: {  	v39 =	vmul.f32 v34, v39;
	vm9 =	vgt.f32 v40, v42;
	vm11 =	vgt.f32 v40, v32  }
0x64: {  	v43 =	vsel vm3, $0x1, v18;
	v44 =	vsel vm4, $0x3, v30;
	v32 =	vsel vm11, v40, v32  }
0x65: {  	v40 =	vsel vm9, v40, v42;
	[tilespmem:v29+s9+$0x0] =	vst.idx.msk $0xffff, v39;
	v29 =	vsel vm2, $0x2, v43;
	v32 =	vsel vm9, v42, v32  }
0x66: {  	vm1 =	vgt.f32 v39, v40;
	[tilespmem:v28+s9+$0x0] =	vst.idx.msk $0xffff, v41;
	vm2 =	vgt.f32 v39, v32  }
0x67: {  	v28 =	vsel vm1, v39, v40;
	[tilespmem:v27+s9+$0x0] =	vst.idx.msk $0xffff, v38;
	v27 =	vsel vm2, v39, v32  }
0x68: {  	[tilespmem:v26+s9+$0x0] =	vst.idx.msk $0xffff, v45;
	v26 =	vsel vm0, v31, v29;
	v29 =	vsel vm5, $0x4, v44;
	v27 =	vsel vm1, v40, v27  }
0x69: {  	vm0 =	vgt.f32 v41, v28;
	v31 =	vsel vm6, $0x5, v29;
	vm12 =	vgt.f32 v41, v27  }
0x6a: {  	v39 =	vsel vm0, v41, v28;
	v32 =	vsel vm9, $0x6, v31;
	v27 =	vsel vm12, v41, v27  }
0x6b: {  	v26 =	vsel vm10, $0x3, v26;
	v40 =	vsel vm1, $0x7, v32;
	v27 =	vsel vm0, v28, v27  }
0x6c: {  	vm3 =	vgt.f32 v38, v39;
	v28 =	vsel vm0, $0x8, v40;
	vm10 =	vgt.f32 v38, v27  }
0x6d: {  	v27 =	vsel vm10, v38, v27;
	v38 =	vsel vm3, v38, v39;
	v41 =	vsel vm3, $0x9, v28  }
0x6e: {  	v35 =	vmul.f32 v34, v35;
	v26 =	vsel vm4, v30, v26;
	v27 =	vsel vm3, v39, v27  }
0x6f: {  	v26 =	vsel vm7, $0x4, v26;
	vm4 =	vgt.f32 v45, v38;
	vm7 =	vgt.f32 v45, v27  }
0x70: {  	v26 =	vsel vm5, v44, v26;
	v30 =	vsel vm4, v45, v38;
	v27 =	vsel vm7, v45, v27  }
0x71: {  	v33 =	vmul.f32 v34, v33;
	[tilespmem:v25+s9+$0x0] =	vst.idx.msk $0xffff, v35;
	v25 =	vsel vm8, $0x5, v26;
	v26 =	vsel vm4, v38, v27  }
0x72: {  	vm5 =	vgt.f32 v35, v30;
	v25 =	vsel vm6, v29, v25;
	vm6 =	vgt.f32 v35, v26  }
0x73: {  	[tilespmem:v24+s9+$0x0] =	vst.idx.msk $0xffff, v33;
	v24 =	vsel vm11, $0x6, v25;
	v25 =	vsel vm6, v35, v26;
	v26 =	vsel vm5, v35, v30  }
0x74: {  	[tilespmem:v23+s9+$0x0] =	vst.idx.msk $0xffff, v47;
	v23 =	vsel vm9, v31, v24;
	v24 =	vsel vm5, v30, v25  }
0x75: {  	vm8 =	vgt.f32 v33, v26;
	[tilespmem:v22+s9+$0x0] =	vst.idx.msk $0xffff, v37;
	v22 =	vsel vm4, $0xA, v41;
	vm9 =	vgt.f32 v33, v24  }
0x76: {  	v25 =	vsel vm8, v33, v26;
	[tilespmem:v21+s9+$0x0] =	vst.idx.msk $0xffff, v36;
	v21 =	vsel vm5, $0xB, v22;
	v24 =	vsel vm9, v33, v24  }
0x77: {  	v23 =	vsel vm2, $0x7, v23;
	v24 =	vsel vm8, v26, v24;
	v26 =	vsel vm8, $0xC, v21  }
0x78: {  	v23 =	vsel vm1, v32, v23;
	vm1 =	vgt.f32 v47, v25;
	vm2 =	vgt.f32 v47, v24  }
0x79: {  	v23 =	vsel vm12, $0x8, v23;
	v27 =	vsel vm1, v47, v25;
	v24 =	vsel vm2, v47, v24  }
0x7a: {  	v23 =	vsel vm0, v40, v23;
	v24 =	vsel vm1, v25, v24;
	v25 =	vsel vm1, $0xD, v26  }
0x7b: {  	v23 =	vsel vm10, $0x9, v23;
	vm10 =	vgt.f32 v37, v27;
	vm11 =	vgt.f32 v37, v24  }
0x7c: {  	v23 =	vsel vm3, v28, v23;
	v28 =	vsel vm10, v37, v27;
	v24 =	vsel vm11, v37, v24  }
0x7d: {  	v23 =	vsel vm7, $0xA, v23;
	v24 =	vsel vm10, v27, v24;
	v27 =	vsel vm10, $0xE, v25  }
0x7e: {  	vm0 =	vgt.f32 v36, v28;
	v23 =	vsel vm4, v41, v23;
	vm3 =	vgt.f32 v36, v24  }
0x7f: {  	v29 =	vsel vm0, v36, v28;
	v23 =	vsel vm6, $0xB, v23;
	v24 =	vsel vm3, v36, v24  }
0x80: {  	v22 =	vsel vm5, v22, v23;
	v23 =	vsel vm0, v28, v24  }
0x81: {  	v22 =	vsel vm9, $0xC, v22;
	v24 =	vadd.f32 v23, v29  }
0x82: {  	v21 =	vsel vm8, v21, v22  }
0x83: {  	v21 =	vsel vm2, $0xD, v21;
	(erf) = vrcp.f32 v24  }
0x84: {  	v21 =	vsel vm1, v26, v21  }
0x85: {  	v21 =	vsel vm11, $0xE, v21  }
0x86: {  	v21 =	vsel vm10, v25, v21  }
0x87: {  	v21 =	vsel vm3, $0xF, v21  }
0x88: {  	v21 =	vsel vm0, v27, v21;
	_ =	sdelay $0x1  }
0x89: {  	v22 =	vor.u32 s15, v13  }
0x8a: {  	v24 =	vor.u32 s15, v19;
	s15 =	smov.u32 s13  }
0x8b: {  	v25 =	vpop (erf)  }
0x8c: {  	v26 =	vmul.f32 v25, v29;
	v23 =	vmul.f32 v25, v23;
	_ =	sdelay $0x1  }
0x8d: {  	v38 =	vor.u32 s14, v2;
	v25 =	vsel vm0, $0xF, v27;
	[tilespmem:v22+s10+$0x0] =	vst.idx.msk $0xffff, v26  }
0x8e: {  	v37 =	vor.u32 s14, v3;
	[tilespmem:v24+s10+$0x0] =	vst.idx.msk $0xffff, v23  }
0x8f: {  	v36 =	vor.u32 s14, v4;
	[tilespmem:v22+s11+$0x0] =	vst.idx.msk $0xffff, v25  }
0x90: {  	v32 =	vor.u32 s14, v5;
	[tilespmem:v24+s11+$0x0] =	vst.idx.msk $0xffff, v21  }
0x91: {  	v31 =	vor.u32 s14, v6;
	v33 =	vld.idx.msk [tilespmem:v20+s2+$0x0], $0xffff  }
0x92: {  	v30 =	vor.u32 s14, v7;
	v34 =	vld.idx.msk [tilespmem:v38+s2+$0x0], $0xffff  }
0x93: {  	v29 =	vor.u32 s14, v8;
	v35 =	vld.idx.msk [tilespmem:v37+s2+$0x0], $0xffff  }
0x94: {  	v28 =	vor.u32 s14, v9;
	v39 =	vld.idx.msk [tilespmem:v36+s2+$0x0], $0xffff  }
0x95: {  	v27 =	vor.u32 s14, v10;
	v40 =	vld.idx.msk [tilespmem:v32+s2+$0x0], $0xffff  }
0x96: {  	v26 =	vor.u32 s14, v11;
	v41 =	vld.idx.msk [tilespmem:v31+s2+$0x0], $0xffff  }
0x97: {  	v25 =	vor.u32 s14, v12;
	v42 =	vld.idx.msk [tilespmem:v30+s2+$0x0], $0xffff  }
0x98: {  	v24 =	vor.u32 s14, v14;
	v21 =	vmax.f32 v33, v34;
	v43 =	vld.idx.msk [tilespmem:v29+s2+$0x0], $0xffff  }
0x99: {  	v23 =	vor.u32 s14, v15;
	v21 =	vmax.f32 v21, v35;
	v44 =	vld.idx.msk [tilespmem:v28+s2+$0x0], $0xffff  }
0x9a: {  	v22 =	vor.u32 s14, v16;
	v46 =	vmax.f32 v21, v39;
	v45 =	vld.idx.msk [tilespmem:v27+s2+$0x0], $0xffff  }
0x9b: {  	v21 =	vor.u32 s14, v17;
	s14 =	smov.u32 s17;
	v46 =	vmax.f32 v46, v40;
	v47 =	vld.idx.msk [tilespmem:v26+s2+$0x0], $0xffff  }
0x9c: {  	v46 =	vmax.f32 v46, v41;
	v48 =	vld.idx.msk [tilespmem:v25+s2+$0x0], $0xffff  }
0x9d: {  	v46 =	vmax.f32 v46, v42;
	v49 =	vld.idx.msk [tilespmem:v24+s2+$0x0], $0xffff  }
0x9e: {  	v46 =	vmax.f32 v46, v43;
	v50 =	vld.idx.msk [tilespmem:v23+s2+$0x0], $0xffff  }
0x9f: {  	v46 =	vmax.f32 v46, v44;
	v51 =	vld.idx.msk [tilespmem:v22+s2+$0x0], $0xffff  }
0xa0: {  	v46 =	vmax.f32 v46, v45;
	v52 =	vld.idx.msk [tilespmem:v21+s2+$0x0], $0xffff  }
0xa1: {  	v46 =	vmax.f32 v46, v47  }
0xa2: {  	v46 =	vmax.f32 v46, v48  }
0xa3: {  	v46 =	vmax.f32 v46, v49  }
0xa4: {  	v46 =	vmax.f32 v46, v50  }
0xa5: {  	v46 =	vmax.f32 v46, v51  }
0xa6: {  	v46 =	vmax.f32 v46, v52  }
0xa7: {  	v33 =	vsub.f32 v33, v46;
	v34 =	vsub.f32 v34, v46  }
0xa8: {  	v35 =	vsub.f32 v35, v46;
	v39 =	vsub.f32 v39, v46  }
0xa9: {  	v40 =	vsub.f32 v40, v46;
	v33 =	vmul.f32 $1.442695020e+00, v33;
	v34 =	vmul.f32 $1.442695020e+00, v34  }
0xaa: {  	v41 =	vsub.f32 v41, v46;
	v35 =	vmul.f32 $1.442695020e+00, v35;
	v39 =	vmul.f32 $1.442695020e+00, v39  }
0xab: {  	v42 =	vsub.f32 v42, v46;
	v40 =	vmul.f32 $1.442695020e+00, v40;
	(erf) = vpow2.f32 v33  }
0xac: {  	v33 =	vmul.f32 $1.442695020e+00, v41;
	v41 =	vsub.f32 v43, v46;
	(erf) = vpow2.f32 v34  }
0xad: {  	v34 =	vmul.f32 $1.442695020e+00, v42;
	v42 =	vsub.f32 v44, v46;
	(erf) = vpow2.f32 v35  }
0xae: {  	v43 =	vsub.f32 v47, v46;
	v35 =	vmul.f32 $1.442695020e+00, v41;
	v41 =	vsub.f32 v45, v46  }
0xaf: {  	v44 =	vsub.f32 v48, v46;
	v42 =	vmul.f32 $1.442695020e+00, v42;
	(erf) = vpow2.f32 v39  }
0xb0: {  	v39 =	vmul.f32 $1.442695020e+00, v41;
	v41 =	vmul.f32 $1.442695020e+00, v43;
	v43 =	vsub.f32 v49, v46  }
0xb1: {  	v45 =	vsub.f32 v50, v46;
	v44 =	vmul.f32 $1.442695020e+00, v44;
	(erf) = vpow2.f32 v40  }
0xb2: {  	v47 =	vmul.f32 $1.442695020e+00, v43;
	v40 =	vsub.f32 v51, v46;
	v43 =	vsub.f32 v52, v46  }
0xb3: {  	v45 =	vmul.f32 $1.442695020e+00, v45;
	(erf) = vpow2.f32 v33  }
0xb4: {  	v33 =	vmul.f32 $1.442695020e+00, v40;
	v46 =	vmul.f32 $1.442695020e+00, v43;
	v49 =	vpop (erf)  }
0xb5: {  	v50 =	vpop (erf);
	(erf) = vpow2.f32 v34  }
0xb6: {  	v34 =	vadd.f32 v50, v49;
	v51 =	vpop (erf)  }
0xb7: {  	(erf) = vpow2.f32 v35  }
0xb8: {  	v34 =	vadd.f32 v34, v51;
	v52 =	vpop (erf)  }
0xb9: {  	(erf) = vpow2.f32 v42  }
0xba: {  	v34 =	vadd.f32 v34, v52;
	v43 =	vpop (erf)  }
0xbb: {  	(erf) = vpow2.f32 v39  }
0xbc: {  	v34 =	vadd.f32 v34, v43;
	v42 =	vpop (erf);
	_ =	sdelay $0x1  }
0xbd: {  	v34 =	vadd.f32 v34, v42;
	v40 =	vpop (erf);
	(erf) = vpow2.f32 v41;
	_ =	sdelay $0x1  }
0xbe: {  	v34 =	vadd.f32 v34, v40;
	v39 =	vpop (erf);
	(erf) = vpow2.f32 v44;
	_ =	sdelay $0x1  }
0xbf: {  	v34 =	vadd.f32 v34, v39;
	v41 =	vpop (erf);
	(erf) = vpow2.f32 v47;
	_ =	sdelay $0x1  }
0xc0: {  	v34 =	vadd.f32 v34, v41;
	v44 =	vpop (erf);
	(erf) = vpow2.f32 v45;
	_ =	sdelay $0x1  }
0xc1: {  	v34 =	vadd.f32 v34, v44;
	(erf) = vpow2.f32 v33  }
0xc2: {  	v45 =	vpop (erf)  }
0xc3: {  	v47 =	vadd.f32 v34, v45;
	(erf) = vpow2.f32 v46  }
0xc4: {  	v35 =	vpop (erf)  }
0xc5: {  	v34 =	vadd.f32 v47, v35  }
0xc6: {  	v33 =	vpop (erf)  }
0xc7: {  	v34 =	vadd.f32 v34, v33  }
0xc8: {  	v47 =	vpop (erf)  }
0xc9: {  	v34 =	vadd.f32 v34, v47  }
0xca: {  	v46 =	vpop (erf)  }
0xcb: {  	v34 =	vadd.f32 v34, v46  }
0xcc: {  	v48 =	vpop (erf)  }
0xcd: {  	v34 =	vadd.f32 v34, v48;
	_ =	sdelay $0x1  }
0xce: {  	(erf) = vrcp.f32 v34;
	_ =	sdelay $0x8  }
0xcf: {  	v34 =	vpop (erf)  }
0xd0: {  	v53 =	vmul.f32 v34, v49;
	v50 =	vmul.f32 v34, v50;
	_ =	sdelay $0x1  }
.Ltmp0:
0xd1: {  	v51 =	vmul.f32 v34, v51;
	[tilespmem:v20+s9+$0x0] =	vst.idx.msk $0xffff, v53;
	vm1 =	vgt.f32 v50, v53;
	vm3 =	vgt.f32 v50, $-1.000000000e+00;
	(pc) =	sbr.rel @p0 .LBB2_2-.Ltmp0, $4  }
0xd2: {  	v49 =	vmul.f32 v34, v52;
	[tilespmem:v38+s9+$0x0] =	vst.idx.msk $0xffff, v50;
	vm4 =	vmneg vm1;
	v20 =	vnsel vm3, $0xBF800000, v50  }
0xd3: {  	v38 =	vor.u32 s14, v0;
	[tilespmem:v37+s9+$0x0] =	vst.idx.msk $0xffff, v51;
	v52 =	vsel vm4, v20, v53;
	v37 =	vsel vm4, v53, v50  }
0xd4: {  	v20 =	vand.u32 v1, v38;
	vm0 =	vgt.f32 v51, v37;
	vm2 =	vgt.f32 v51, v52  }
0xd5: {  	vm3 =	vmand vm4, vm3;
	[tilespmem:v36+s9+$0x0] =	vst.idx.msk $0xffff, v49;
	v36 =	vsel vm2, v51, v52;
	v38 =	vsel vm0, v51, v37  }
0xd6: {  	v36 =	vsel vm0, v37, v36  }
0xd7: {  	vm9 =	vgt.f32 v49, v36  }
0xd8: {  	vm15 =	vgt.f32 v49, v38;
	v61 =	vmul.f32 v34, v43;
	v36 =	vsel vm9, v49, v36  }
0xd9: {  	v36 =	vsel vm15, v38, v36  }
0xda: {  	v62 =	vsel vm15, v49, v38;
	vm10 =	vgt.f32 v61, v36  }
0xdb: {  	v42 =	vmul.f32 v34, v42;
	vm12 =	vgt.f32 v61, v62;
	v36 =	vsel vm10, v61, v36  }
0xdc: {  	v36 =	vsel vm12, v62, v36  }
0xdd: {  	v38 =	vsel vm12, v61, v62;
	vm13 =	vgt.f32 v42, v36  }
0xde: {  	v40 =	vmul.f32 v34, v40;
	vm6 =	vgt.f32 v42, v38;
	v36 =	vsel vm13, v42, v36  }
0xdf: {  	v36 =	vsel vm6, v38, v36  }
0xe0: {  	v38 =	vsel vm6, v42, v38;
	vm4 =	vgt.f32 v40, v36  }
0xe1: {  	v39 =	vmul.f32 v34, v39;
	vm7 =	vgt.f32 v40, v38;
	v36 =	vsel vm4, v40, v36  }
0xe2: {  	v63 =	vimm.s32 $0x0;
	v36 =	vsel vm7, v38, v36  }
0xe3: {  	v41 =	vmul.f32 v34, v41;
	v38 =	vsel vm7, v40, v38;
	vm5 =	vgt.f32 v39, v36  }
0xe4: {  	v43 =	vsel vm4, $0xFFFFFFFF, v63;
	vm4 =	vgt.f32 v39, v38;
	v36 =	vsel vm5, v39, v36  }
0xe5: {  	v49 =	vimm.s32 $0x0;
	v36 =	vsel vm4, v38, v36  }
0xe6: {  	v50 =	vimm.s32 $0x0;
	[tilespmem:$0x1FF80] =	vst v43;
	v43 =	vsel vm5, $0xFFFFFFFF, v49;
	vm8 =	vgt.f32 v41, v36  }
0xe7: {  	[tilespmem:$0x1FF90] =	vst v43;
	v38 =	vsel vm4, v39, v38;
	v43 =	vsel vm8, $0xFFFFFFFF, v50  }
0xe8: {  	vm5 =	vgt.f32 v41, v38;
	v36 =	vsel vm8, v41, v36;
	[tilespmem:$0x1FFA0] =	vst v43;
	v43 =	vmul.f32 v34, v44  }
0xe9: {  	v36 =	vsel vm5, v38, v36  }
0xea: {  	v51 =	vimm.s32 $0x0;
	vm14 =	vgt.f32 v43, v36  }
0xeb: {  	v52 =	vsel vm3, $0x1, v18;
	v38 =	vsel vm5, v41, v38;
	v44 =	vsel vm14, $0xFFFFFFFF, v51  }
0xec: {  	vm8 =	vgt.f32 v43, v38;
	v36 =	vsel vm14, v43, v36;
	[tilespmem:$0x1FFB0] =	vst v44;
	v44 =	vmul.f32 v34, v45  }
0xed: {  	v35 =	vmul.f32 v34, v35;
	v53 =	vsel vm1, $0x1, v18;
	v36 =	vsel vm8, v38, v36  }
0xee: {  	v33 =	vmul.f32 v34, v33;
	v38 =	vsel vm8, v43, v38;
	vm14 =	vgt.f32 v44, v36  }
0xef: {  	v47 =	vmul.f32 v34, v47;
	vm3 =	vgt.f32 v44, v38;
	v36 =	vsel vm14, v44, v36  }
0xf0: {  	v46 =	vmul.f32 v34, v46;
	v49 =	vsel vm0, $0x2, v53;
	v36 =	vsel vm3, v38, v36  }
0xf1: {  	v55 =	vld [tilespmem:$0x1FF80];
	v45 =	vsel vm2, $0x2, v52;
	v38 =	vsel vm3, v44, v38;
	vm11 =	vgt.f32 v35, v36  }
0xf2: {  	v45 =	vsel vm0, v53, v45;
	vm1 =	vgt.f32 v35, v38;
	v36 =	vsel vm11, v35, v36  }
0xf3: {  	v34 =	vmul.f32 v34, v48;
	v45 =	vsel vm9, $0x3, v45;
	v36 =	vsel vm1, v38, v36  }
0xf4: {  	v45 =	vsel vm15, v49, v45;
	v38 =	vsel vm1, v35, v38;
	vm2 =	vgt.f32 v33, v36  }
0xf5: {  	v49 =	vsel vm15, $0x3, v49;
	vm0 =	vgt.f32 v33, v38;
	v36 =	vsel vm2, v33, v36  }
0xf6: {  	vm15 =	vnez.u8 v55;
	v45 =	vsel vm10, $0x4, v45;
	v36 =	vsel vm0, v38, v36  }
0xf7: {  	v45 =	vsel vm12, v49, v45;
	v38 =	vsel vm0, v33, v38;
	vm10 =	vgt.f32 v47, v36  }
0xf8: {  	v49 =	vsel vm12, $0x4, v49;
	vm9 =	vgt.f32 v47, v38;
	v36 =	vsel vm10, v47, v36  }
0xf9: {  	v57 =	vld [tilespmem:$0x1FF90];
	v45 =	vsel vm13, $0x5, v45;
	v54 =	vsel vm6, $0x5, v49;
	v36 =	vsel vm9, v38, v36  }
0xfa: {  	v45 =	vsel vm6, v49, v45;
	v38 =	vsel vm9, v47, v38;
	vm13 =	vgt.f32 v46, v36  }
0xfb: {  	v50 =	vld [tilespmem:$0x1FFA0];
	v56 =	vsel vm7, $0x6, v54;
	vm12 =	vgt.f32 v46, v38;
	v36 =	vsel vm13, v46, v36  }
0xfc: {  	v45 =	vsel vm15, $0x6, v45;
	v49 =	vsel vm4, $0x7, v56;
	v36 =	vsel vm12, v38, v36  }
0xfd: {  	v63 =	vld [tilespmem:$0x1FFB0];
	v45 =	vsel vm7, v54, v45;
	v38 =	vsel vm12, v46, v38;
	vm15 =	vgt.f32 v34, v36  }
0xfe: {  	vm7 =	vnez.u8 v57;
	vm6 =	vgt.f32 v34, v38;
	v36 =	vsel vm15, v34, v36  }
0xff: {  	v45 =	vsel vm7, $0x7, v45;
	v58 =	vsel vm6, v34, v38;
	v36 =	vsel vm6, v38, v36  }
0x100: {  	v59 =	vsel vm4, v56, v45;
	vm4 =	vnez.u8 v50;
	v60 =	vadd.f32 v36, v58  }
0x101: {  	v38 =	vsel vm4, $0x8, v59  }
0x102: {  	[tilespmem:v32+s9+$0x0] =	vst.idx.msk $0xffff, v61;
	vm4 =	vnez.u8 v63;
	v61 =	vsel vm5, v49, v38;
	(erf) = vrcp.f32 v60  }
0x103: {  	[tilespmem:v31+s9+$0x0] =	vst.idx.msk $0xffff, v42;
	v62 =	vsel vm5, $0x8, v49;
	v32 =	vsel vm4, $0x9, v61  }
0x104: {  	[tilespmem:v30+s9+$0x0] =	vst.idx.msk $0xffff, v40;
	v38 =	vsel vm8, v62, v32  }
0x105: {  	[tilespmem:v29+s9+$0x0] =	vst.idx.msk $0xffff, v39;
	v39 =	vsel vm8, $0x9, v62;
	v30 =	vsel vm14, $0xA, v38  }
0x106: {  	[tilespmem:v28+s9+$0x0] =	vst.idx.msk $0xffff, v41;
	v40 =	vsel vm3, v39, v30  }
0x107: {  	[tilespmem:v27+s9+$0x0] =	vst.idx.msk $0xffff, v43;
	v41 =	vsel vm3, $0xA, v39;
	v28 =	vsel vm11, $0xB, v40  }
0x108: {  	[tilespmem:v26+s9+$0x0] =	vst.idx.msk $0xffff, v44;
	v42 =	vsel vm1, v41, v28  }
0x109: {  	[tilespmem:v25+s9+$0x0] =	vst.idx.msk $0xffff, v35;
	v44 =	vor.u32 s15, v13;
	v43 =	vsel vm1, $0xB, v41;
	v26 =	vsel vm2, $0xC, v42  }
0x10a: {  	[tilespmem:v24+s9+$0x0] =	vst.idx.msk $0xffff, v33;
	v49 =	vor.u32 s15, v19;
	v45 =	vsel vm0, v43, v26  }
0x10b: {  	[tilespmem:v23+s9+$0x0] =	vst.idx.msk $0xffff, v47;
	v50 =	vsel vm0, $0xC, v43;
	v24 =	vsel vm10, $0xD, v45;
	v51 =	vpop (erf)  }
0x10c: {  	[tilespmem:v22+s9+$0x0] =	vst.idx.msk $0xffff, v46;
	v52 =	vsel vm9, v50, v24;
	v53 =	vmul.f32 v51, v58  }
0x10d: {  	[tilespmem:v21+s9+$0x0] =	vst.idx.msk $0xffff, v34;
	v54 =	vsel vm9, $0xD, v50;
	v22 =	vsel vm13, $0xE, v52;
	v55 =	vmul.f32 v51, v36  }
0x10e: {  	v33 =	vor.u32 s14, v2;
	v56 =	vsel vm12, $0xE, v54;
	v21 =	vsel vm12, v54, v22;
	[tilespmem:v44+s10+$0x0] =	vst.idx.msk $0xffff, v53  }
0x10f: {  	v35 =	vor.u32 s14, v3;
	v57 =	vsel vm6, $0xF, v56;
	v21 =	vsel vm15, $0xF, v21;
	[tilespmem:v49+s10+$0x0] =	vst.idx.msk $0xffff, v55  }
0x110: {  	v30 =	vor.u32 s14, v4;
	v21 =	vsel vm6, v56, v21;
	[tilespmem:v44+s11+$0x0] =	vst.idx.msk $0xffff, v57  }
0x111: {  	v34 =	vor.u32 s14, v5;
	[tilespmem:v49+s11+$0x0] =	vst.idx.msk $0xffff, v21  }
0x112: {  	v27 =	vor.u32 s14, v6;
	v58 =	vld.idx.msk [tilespmem:v20+s2+$0x0], $0xffff  }
0x113: {  	v31 =	vor.u32 s14, v7;
	v59 =	vld.idx.msk [tilespmem:v33+s2+$0x0], $0xffff  }
0x114: {  	v32 =	vor.u32 s14, v8;
	v60 =	vld.idx.msk [tilespmem:v35+s2+$0x0], $0xffff  }
0x115: {  	v28 =	vor.u32 s14, v9;
	v39 =	vld.idx.msk [tilespmem:v30+s2+$0x0], $0xffff  }
0x116: {  	v29 =	vor.u32 s14, v10;
	v40 =	vld.idx.msk [tilespmem:v34+s2+$0x0], $0xffff  }
0x117: {  	v25 =	vor.u32 s14, v11;
	v41 =	vld.idx.msk [tilespmem:v27+s2+$0x0], $0xffff  }
0x118: {  	v26 =	vor.u32 s14, v12;
	v42 =	vld.idx.msk [tilespmem:v31+s2+$0x0], $0xffff;
	v61 =	vmax.f32 v58, v59  }
0x119: {  	v23 =	vor.u32 s14, v14;
	v43 =	vld.idx.msk [tilespmem:v32+s2+$0x0], $0xffff;
	v21 =	vmax.f32 v61, v60  }
0x11a: {  	v24 =	vor.u32 s14, v15;
	v44 =	vld.idx.msk [tilespmem:v28+s2+$0x0], $0xffff;
	v62 =	vmax.f32 v21, v39  }
0x11b: {  	v63 =	vld.idx.msk [tilespmem:v29+s2+$0x0], $0xffff;
	v21 =	vor.u32 s14, v16;
	v54 =	vmax.f32 v62, v40  }
0x11c: {  	v22 =	vor.u32 s14, v17;
	v47 =	vld.idx.msk [tilespmem:v25+s2+$0x0], $0xffff;
	v46 =	vmax.f32 v54, v41  }
0x11d: {  	v48 =	vld.idx.msk [tilespmem:v26+s2+$0x0], $0xffff;
	v46 =	vmax.f32 v46, v42  }
0x11e: {  	v49 =	vld.idx.msk [tilespmem:v23+s2+$0x0], $0xffff;
	v46 =	vmax.f32 v46, v43  }
0x11f: {  	v50 =	vld.idx.msk [tilespmem:v24+s2+$0x0], $0xffff;
	v46 =	vmax.f32 v46, v44  }
0x120: {  	v51 =	vld.idx.msk [tilespmem:v21+s2+$0x0], $0xffff;
	v46 =	vmax.f32 v46, v63  }
0x121: {  	v52 =	vld.idx.msk [tilespmem:v22+s2+$0x0], $0xffff;
	v46 =	vmax.f32 v46, v47  }
0x122: {  	v46 =	vmax.f32 v46, v48  }
0x123: {  	v46 =	vmax.f32 v46, v49  }
0x124: {  	v46 =	vmax.f32 v46, v50  }
0x125: {  	v46 =	vmax.f32 v46, v51  }
0x126: {  	v46 =	vmax.f32 v46, v52  }
0x127: {  	v36 =	vsub.f32 v58, v46  }
0x128: {  	v37 =	vsub.f32 v59, v46  }
0x129: {  	v36 =	vmul.f32 $1.442695020e+00, v36  }
0x12a: {  	v38 =	vsub.f32 v60, v46;
	v37 =	vmul.f32 $1.442695020e+00, v37  }
0x12b: {  	(erf) = vpow2.f32 v36  }
0x12c: {  	v55 =	vsub.f32 v39, v46;
	v38 =	vmul.f32 $1.442695020e+00, v38;
	(erf) = vpow2.f32 v37  }
0x12d: {  	v56 =	vsub.f32 v40, v46  }
0x12e: {  	v57 =	vsub.f32 v41, v46;
	v36 =	vmul.f32 $1.442695020e+00, v55;
	(erf) = vpow2.f32 v38  }
0x12f: {  	v37 =	vmul.f32 $1.442695020e+00, v56  }
0x130: {  	v38 =	vmul.f32 $1.442695020e+00, v57;
	(erf) = vpow2.f32 v36;
	_ =	sdelay $0x1  }
0x131: {  	v58 =	vsub.f32 v42, v46;
	(erf) = vpow2.f32 v37;
	_ =	sdelay $0x1  }
0x132: {  	v59 =	vsub.f32 v43, v46;
	v36 =	vmul.f32 $1.442695020e+00, v58;
	(erf) = vpow2.f32 v38;
	v38 =	vpop (erf)  }
0x133: {  	v60 =	vsub.f32 v44, v46;
	v40 =	vpop (erf)  }
0x134: {  	v37 =	vmul.f32 $1.442695020e+00, v59;
	(erf) = vpow2.f32 v36;
	v61 =	vadd.f32 v40, v38  }
0x135: {  	v62 =	vsub.f32 v63, v46;
	v42 =	vpop (erf)  }
0x136: {  	v39 =	vmul.f32 $1.442695020e+00, v60;
	(erf) = vpow2.f32 v37;
	v36 =	vadd.f32 v61, v42  }
0x137: {  	v63 =	vsub.f32 v47, v46;
	v43 =	vpop (erf)  }
0x138: {  	v41 =	vmul.f32 $1.442695020e+00, v62;
	(erf) = vpow2.f32 v39;
	v36 =	vadd.f32 v36, v43  }
0x139: {  	v53 =	vsub.f32 v48, v46;
	v44 =	vpop (erf)  }
0x13a: {  	v37 =	vmul.f32 $1.442695020e+00, v63;
	(erf) = vpow2.f32 v41;
	v36 =	vadd.f32 v36, v44  }
0x13b: {  	v54 =	vsub.f32 v49, v46;
	v45 =	vpop (erf)  }
0x13c: {  	v39 =	vmul.f32 $1.442695020e+00, v53;
	(erf) = vpow2.f32 v37;
	v36 =	vadd.f32 v36, v45  }
0x13d: {  	v55 =	vsub.f32 v50, v46;
	v47 =	vpop (erf)  }
0x13e: {  	v41 =	vmul.f32 $1.442695020e+00, v54;
	(erf) = vpow2.f32 v39;
	v36 =	vadd.f32 v36, v47  }
0x13f: {  	v56 =	vsub.f32 v51, v46;
	v57 =	vpop (erf)  }
0x140: {  	v37 =	vmul.f32 $1.442695020e+00, v55;
	(erf) = vpow2.f32 v41;
	v36 =	vadd.f32 v36, v57  }
0x141: {  	v58 =	vsub.f32 v52, v46;
	v59 =	vpop (erf)  }
0x142: {  	v39 =	vmul.f32 $1.442695020e+00, v56;
	(erf) = vpow2.f32 v37;
	v36 =	vadd.f32 v36, v59  }
0x143: {  	v60 =	vpop (erf)  }
0x144: {  	v41 =	vmul.f32 $1.442695020e+00, v58;
	(erf) = vpow2.f32 v39;
	v36 =	vadd.f32 v36, v60  }
0x145: {  	v61 =	vpop (erf)  }
0x146: {  	(erf) = vpow2.f32 v41;
	v36 =	vadd.f32 v36, v61  }
0x147: {  	v62 =	vpop (erf)  }
0x148: {  	v36 =	vadd.f32 v36, v62  }
0x149: {  	v49 =	vpop (erf)  }
0x14a: {  	v36 =	vadd.f32 v36, v49  }
0x14b: {  	v50 =	vpop (erf)  }
0x14c: {  	v36 =	vadd.f32 v36, v50  }
0x14d: {  	v51 =	vpop (erf)  }
0x14e: {  	v36 =	vadd.f32 v36, v51  }
0x14f: {  	v63 =	vpop (erf)  }
0x150: {  	v36 =	vadd.f32 v36, v63;
	_ =	sdelay $0x1  }
0x151: {  	(erf) = vrcp.f32 v36;
	_ =	sdelay $0x8  }
0x152: {  	v36 =	vpop (erf)  }
0x153: {  	v38 =	vmul.f32 v36, v38;
	v40 =	vmul.f32 v36, v40;
	_ =	sdelay $0x1  }
0x154: {  	vm4 =	vgt.f32 v40, v38;
	vm5 =	vgt.f32 v40, $-1.000000000e+00  }
0x155: {  	v42 =	vmul.f32 v36, v42;
	vm13 =	vmneg vm4;
	v53 =	vnsel vm5, $0xBF800000, v40  }
0x156: {  	v53 =	vsel vm13, v53, v38  }
0x157: {  	v54 =	vsel vm13, v38, v40;
	vm10 =	vgt.f32 v42, v53  }
0x158: {  	v43 =	vmul.f32 v36, v43;
	vm14 =	vgt.f32 v42, v54;
	v53 =	vsel vm10, v42, v53  }
0x159: {  	v53 =	vsel vm14, v54, v53  }
0x15a: {  	v54 =	vsel vm14, v42, v54;
	vm3 =	vgt.f32 v43, v53  }
0x15b: {  	v44 =	vmul.f32 v36, v44;
	vm15 =	vgt.f32 v43, v54;
	v53 =	vsel vm3, v43, v53  }
0x15c: {  	v53 =	vsel vm15, v54, v53  }
0x15d: {  	v54 =	vsel vm15, v43, v54;
	vm8 =	vgt.f32 v44, v53  }
0x15e: {  	v45 =	vmul.f32 v36, v45;
	vm11 =	vgt.f32 v44, v54;
	v53 =	vsel vm8, v44, v53  }
0x15f: {  	v53 =	vsel vm11, v54, v53  }
0x160: {  	v54 =	vsel vm11, v44, v54;
	vm9 =	vgt.f32 v45, v53  }
0x161: {  	v47 =	vmul.f32 v36, v47;
	vm6 =	vgt.f32 v45, v54;
	v53 =	vsel vm9, v45, v53  }
0x162: {  	v53 =	vsel vm6, v54, v53  }
0x163: {  	v54 =	vsel vm6, v45, v54;
	vm12 =	vgt.f32 v47, v53  }
0x164: {  	v48 =	vmul.f32 v36, v57;
	vm7 =	vgt.f32 v47, v54;
	v53 =	vsel vm12, v47, v53  }
0x165: {  	v53 =	vsel vm7, v54, v53  }
0x166: {  	v55 =	vimm.s32 $0x0;
	v54 =	vsel vm7, v47, v54;
	vm1 =	vgt.f32 v48, v53  }
0x167: {  	v46 =	vmul.f32 v36, v59;
	vm0 =	vgt.f32 v48, v54;
	v53 =	vsel vm1, v48, v53  }
0x168: {  	v59 =	vimm.s32 $0x0;
	v37 =	vmul.f32 v36, v60;
	v53 =	vsel vm0, v54, v53  }
0x169: {  	v55 =	vsel vm1, $0xFFFFFFFF, v55;
	v54 =	vsel vm0, v48, v54;
	vm1 =	vgt.f32 v46, v53  }
0x16a: {  	[tilespmem:$0x1FFC0] =	vst v55;
	v55 =	vsel vm1, $0xFFFFFFFF, v59;
	v53 =	vsel vm1, v46, v53;
	vm1 =	vgt.f32 v46, v54  }
0x16b: {  	v56 =	vimm.s32 $0x0;
	v60 =	vimm.s32 $0x0;
	v53 =	vsel vm1, v54, v53  }
0x16c: {  	v39 =	vmul.f32 v36, v61;
	v54 =	vsel vm1, v46, v54;
	vm2 =	vgt.f32 v37, v53  }
0x16d: {  	[tilespmem:$0x1FFD0] =	vst v55;
	v55 =	vsel vm2, $0xFFFFFFFF, v60;
	v53 =	vsel vm2, v37, v53;
	vm2 =	vgt.f32 v37, v54  }
0x16e: {  	v41 =	vmul.f32 v36, v62;
	v49 =	vmul.f32 v36, v49;
	v53 =	vsel vm2, v54, v53  }
0x16f: {  	vm5 =	vmand vm13, vm5;
	v54 =	vsel vm2, v37, v54;
	vm13 =	vgt.f32 v39, v53  }
0x170: {  	v61 =	vsel vm5, $0x1, v18;
	vm5 =	vgt.f32 v39, v54;
	v53 =	vsel vm13, v39, v53  }
0x171: {  	v50 =	vmul.f32 v36, v50;
	v62 =	vsel vm4, $0x1, v18;
	v53 =	vsel vm5, v54, v53  }
0x172: {  	v56 =	vsel vm13, $0xFFFFFFFF, v56;
	v54 =	vsel vm5, v39, v54;
	vm13 =	vgt.f32 v41, v53  }
0x173: {  	[tilespmem:$0x1FFE0] =	vst v55;
	v55 =	vsel vm10, $0x2, v61;
	vm10 =	vgt.f32 v41, v54;
	v53 =	vsel vm13, v41, v53  }
0x174: {  	v51 =	vmul.f32 v36, v51;
	v55 =	vsel vm14, v62, v55;
	v53 =	vsel vm10, v54, v53  }
0x175: {  	v55 =	vsel vm3, $0x3, v55;
	v54 =	vsel vm10, v41, v54;
	vm4 =	vgt.f32 v49, v53  }
0x176: {  	[tilespmem:$0x1FFF0] =	vst v56;
	v56 =	vsel vm14, $0x2, v62;
	vm14 =	vgt.f32 v49, v54;
	v53 =	vsel vm4, v49, v53  }
0x177: {  	v36 =	vmul.f32 v36, v63;
	v55 =	vsel vm15, v56, v55;
	v53 =	vsel vm14, v54, v53  }
0x178: {  	v56 =	vsel vm15, $0x3, v56;
	v54 =	vsel vm14, v49, v54;
	vm3 =	vgt.f32 v50, v53  }
0x179: {  	[tilespmem:v20+s9+$0x0] =	vst.idx.msk $0xffff, v38;
	v55 =	vsel vm8, $0x4, v55;
	vm15 =	vgt.f32 v50, v54;
	v53 =	vsel vm3, v50, v53  }
0x17a: {  	[tilespmem:v33+s9+$0x0] =	vst.idx.msk $0xffff, v40;
	v59 =	vld [tilespmem:$0x1FFC0];
	v55 =	vsel vm11, v56, v55;
	v53 =	vsel vm15, v54, v53  }
0x17b: {  	[tilespmem:v35+s9+$0x0] =	vst.idx.msk $0xffff, v42;
	v56 =	vsel vm11, $0x4, v56;
	v63 =	vsel vm15, v50, v54;
	vm11 =	vgt.f32 v51, v53  }
0x17c: {  	[tilespmem:v30+s9+$0x0] =	vst.idx.msk $0xffff, v43;
	v55 =	vsel vm9, $0x5, v55;
	vm8 =	vgt.f32 v51, v63;
	v53 =	vsel vm11, v51, v53  }
0x17d: {  	[tilespmem:v34+s9+$0x0] =	vst.idx.msk $0xffff, v44;
	v58 =	vsel vm6, $0x5, v56;
	v52 =	vsel vm8, v51, v63;
	v53 =	vsel vm8, v63, v53;
	v63 =	vld [tilespmem:$0x1FFD0]  }
0x17e: {  	[tilespmem:v27+s9+$0x0] =	vst.idx.msk $0xffff, v45;
	v57 =	vsel vm6, v56, v55;
	v55 =	vsel vm7, $0x6, v58  }
0x17f: {  	[tilespmem:v31+s9+$0x0] =	vst.idx.msk $0xffff, v47;
	v44 =	vld [tilespmem:$0x1FFE0];
	v54 =	vsel vm12, $0x6, v57;
	vm12 =	vnez.u8 v59;
	vm6 =	vgt.f32 v36, v53  }
0x180: {  	v54 =	vsel vm7, v58, v54;
	vm7 =	vgt.f32 v36, v52;
	v20 =	vsel vm6, v36, v53  }
0x181: {  	[tilespmem:v32+s9+$0x0] =	vst.idx.msk $0xffff, v48;
	v48 =	vld [tilespmem:$0x1FFF0];
	v38 =	vsel vm12, $0x7, v54;
	v33 =	vsel vm7, v36, v52;
	v20 =	vsel vm7, v52, v20  }
0x182: {  	v60 =	vsel vm0, v55, v38;
	v61 =	vadd.f32 v20, v33;
	vm12 =	vnez.u8 v63  }
0x183: {  	v62 =	vsel vm0, $0x7, v55;
	v35 =	vsel vm12, $0x8, v60  }
0x184: {  	vm9 =	vnez.u8 v44;
	(erf) = vrcp.f32 v61;
	v42 =	vsel vm1, v62, v35  }
0x185: {  	v43 =	vsel vm1, $0x8, v62;
	v30 =	vsel vm9, $0x9, v42  }
0x186: {  	vm12 =	vnez.u8 v48;
	v45 =	vsel vm2, v43, v30  }
0x187: {  	v47 =	vsel vm2, $0x9, v43;
	v27 =	vsel vm12, $0xA, v45  }
0x188: {  	[tilespmem:v28+s9+$0x0] =	vst.idx.msk $0xffff, v46;
	v27 =	vsel vm5, v47, v27  }
0x189: {  	[tilespmem:v29+s9+$0x0] =	vst.idx.msk $0xffff, v37;
	v52 =	vsel vm5, $0xA, v47;
	v27 =	vsel vm13, $0xB, v27  }
0x18a: {  	s13 =	sadd.s32 $0x20, s13;
	[tilespmem:v25+s9+$0x0] =	vst.idx.msk $0xffff, v39;
	v53 =	vsel vm10, v52, v27  }
0x18b: {  	[tilespmem:v26+s9+$0x0] =	vst.idx.msk $0xffff, v41;
	v55 =	vor.u32 s13, v13;
	v54 =	vsel vm10, $0xB, v52;
	v25 =	vsel vm4, $0xC, v53  }
0x18c: {  	[tilespmem:v23+s9+$0x0] =	vst.idx.msk $0xffff, v49;
	v57 =	vor.u32 s13, v19;
	v56 =	vsel vm14, v54, v25  }
0x18d: {  	[tilespmem:v24+s9+$0x0] =	vst.idx.msk $0xffff, v50;
	v58 =	vsel vm14, $0xC, v54;
	v59 =	vpop (erf);
	v23 =	vsel vm3, $0xD, v56  }
0x18e: {  	[tilespmem:v21+s9+$0x0] =	vst.idx.msk $0xffff, v51;
	v61 =	vmul.f32 v59, v33;
	v60 =	vsel vm15, v58, v23  }
0x18f: {  	[tilespmem:v22+s9+$0x0] =	vst.idx.msk $0xffff, v36;
	v62 =	vsel vm15, $0xD, v58;
	v20 =	vmul.f32 v59, v20;
	v21 =	vsel vm11, $0xE, v60  }
0x190: {  	v24 =	vsel vm8, $0xE, v62;
	[tilespmem:v55+s10+$0x0] =	vst.idx.msk $0xffff, v61;
	v21 =	vsel vm8, v62, v21  }
0x191: {  	v63 =	vsel vm7, $0xF, v24;
	[tilespmem:v57+s10+$0x0] =	vst.idx.msk $0xffff, v20;
	v21 =	vsel vm6, $0xF, v21  }
0x192: {  	[tilespmem:v55+s11+$0x0] =	vst.idx.msk $0xffff, v63;
	v20 =	vsel vm7, v24, v21  }
0x193: {  	[tilespmem:v57+s11+$0x0] =	vst.idx.msk $0xffff, v20  }
0x194: {  	[hbm4b:s4+s2] =	stream.linear.scatter [tilespmem:s9], [sflag:$0x1], $0x2000, $0x38;
	[tilespmem:$0x4800] =	vst v63  }
0x195: {  	_ =	swait.ge [sflag:s8], $0x2000  }
0x196: {  	[sflag:s8] =	ssyncset.done $0x0  }
0x197: {  	[sflag:s8] =	ssyncadd.s32 $0xFFFFE000  }
0x198: {  	[hbm4b:s5+s2] =	stream.linear.scatter [tilespmem:s10], [sflag:$0x1], $0x400, $0x38;
	[tilespmem:$0x4800] =	vst v63  }
0x199: {  	s12 =	sadd.s32 $0x1, s12;
	_ =	swait.ge [sflag:s8], $0x400  }
0x19a: {  	p0 =	sne.s32 s12, s7;
	[sflag:s8] =	ssyncset.done $0x0  }
.Ltmp1:
0x19b: {  	[sflag:s8] =	ssyncadd.s32 $0xFFFFFC00;
	(pc) =	sbr.rel @p0 .LBB2_1-.Ltmp1, $4  }
0x19c: {  	[hbm4b:s6+s2] =	stream.linear.scatter [tilespmem:s11], [sflag:$0x1], $0x400, $0x38;
	[tilespmem:$0x4800] =	vst v63  }
0x19d: {  	_ =	swait.ge [sflag:s8], $0x400  }
0x19e: {  	[sflag:s8] =	ssyncset.done $0x0  }
0x19f: {  	[sflag:s8] =	ssyncadd.s32 $0xFFFFFC00  }
0x1a0: {  	_ =	sfence.sel $0x180000  }
0x1a1: {  	[bflag:$0x0] =	sbarrier.arrive $0xFFFF  }
0x1a2: {  	p0 =	sne.s32 s1, $0x0;
	_ =	strace $0x90000047  }
0x1a3: {  	s0 =	sadd.s32 @!p0 $0x100000, s0;
	[bflag:$0x2] =	sbarrier.arrive $0xFFFF  }
0x1a4: {  	[sflag:s0] =	ssyncadd.tile.s32 @!p0 $0x1;
	_ =	shalt  }
.Lfunc_end2:
_tile_overlayer_lowered:
.L_overlay_start_2:
0x1a5: {  	(tag) =	ssettag $0x2  }
0x1a6: {  	s0 =	rddreg [dreg:$0x0];
	s2 =	stileid.u32  }
0x1a7: {  	s1 =	rddreg [dreg:$0x1];
	p0 =	sne.s32 s2, $0x0  }
0x1a8: {  	s3 =	rddreg [dreg:$0x2];
	[bflag:$0x3] =	sbarrier.arrive $0xFFFF;
	s2 =	simm.s32 @!p0 $0x1C01  }
0x1a9: {  	[timem:s3], [sflag:s2] =	dma.local @!p0 [hbm:s0], s1  }
0x1aa: {  	s0 =	simm.s32 @!p0 $0x1  }
0x1ab: {  	_ =	swait.ge @!p0 [sflag:s0], s1  }
0x1ac: {  	s1 =	ssub.s32 @!p0 $0x0, s1;
	[sflag:s0] =	ssyncset.done @!p0 $0x0  }
0x1ad: {  	[sflag:s0] =	ssyncadd.s32 @!p0 s1  }
0x1ae: {  	[bflag:$0x3] =	sbarrier.arrive $0xFFFF  }
0x1af: {  	_ =	shalt  }

</sc_bundles>
